<compile_context>
chip_gen: v7x
topology: tpu7x:2x2x1
jax: 0.10.2.dev20260603
libtpu: 0.0.44.dev20260713+nightly
codegen_flags: <defaults>
</compile_context>

<pallas_src>
import dataclasses
import functools

import jax
import jax.numpy as jnp
from jax import lax
from jax.experimental import pallas as pl
from jax.experimental.pallas import tpu as pltpu
from jax.experimental.pallas import tpu_sc as plsc

N = 10000
E = 320000
D = 128
NR = 10240
NC, NS = 2, 16
NT = NC * NS
K = 128
CH = 80
RING = 4
EPT = K * CH
EPAD = NT * EPT
RPS = NR // NS

_mesh = plsc.VectorSubcoreMesh(core_axis_name="c", subcore_axis_name="s")

_sc_params = pltpu.CompilerParams()
if "needs_layout_passes" in pltpu.CompilerParams.__dataclass_fields__:
    _sc_params = dataclasses.replace(_sc_params, needs_layout_passes=False)


def _f32(*shape):
    return jax.ShapeDtypeStruct(shape, jnp.float32)



@functools.partial(
    pl.kernel, mesh=_mesh, out_type=_f32(NT, NR),
    compiler_params=_sc_params,
    scratch_types=[pltpu.VMEM((CH, K), jnp.int32),
                   pltpu.VMEM((NR,), jnp.float32)])
def _sc_degree(dst_hbm, out_hbm, dst_iv, acc_v):
    c = lax.axis_index("c")
    s = lax.axis_index("s")
    wid = s * NC + c
    pltpu.sync_copy(dst_hbm.at[wid], dst_iv)

    @pl.loop(0, NR, step=16)
    def _(i):
        acc_v[pl.ds(i, 16)] = jnp.zeros((16,), jnp.float32)

    ones = jnp.ones((16,), jnp.float32)

    @pl.loop(0, CH)
    def _(j):
        for k in range(K // 16):
            idx = dst_iv[j, pl.ds(k * 16, 16)]
            plsc.addupdate_scatter(acc_v, [idx], ones)

    pltpu.sync_copy(acc_v, out_hbm.at[wid])


@functools.partial(
    pl.kernel, mesh=_mesh, out_type=_f32(NC, NR, D),
    scratch_types=[pltpu.VMEM((RING, K), jnp.int32),
                   pltpu.VMEM((RING, K), jnp.int32),
                   pltpu.VMEM((K, D), jnp.float32),
                   pltpu.VMEM((K, D), jnp.float32),
                   pltpu.VMEM_SHARED((NR, D), jnp.float32)]
                  + [pltpu.SemaphoreType.DMA] * (2 + 2 * RING))
def _sc_aggregate(hs_hbm, src_hbm, dst_hbm, out_hbm,
                  src_ring, dst_ring, rows0, rows1, acc_sh, *sems):
    gsem0, gsem1 = sems[:2]
    ssems = sems[2:2 + RING]
    dsems = sems[2 + RING:]
    c = lax.axis_index("c")
    s = lax.axis_index("s")
    wid = s * NC + c
    for m in range(RING):
        pltpu.async_copy(src_hbm.at[wid, m], src_ring.at[m], ssems[m])
        pltpu.async_copy(dst_hbm.at[wid, m], dst_ring.at[m], dsems[m])
    r0 = s * RPS
    pltpu.sync_copy(hs_hbm.at[pl.ds(r0, RPS)], acc_sh.at[pl.ds(r0, RPS)])
    plsc.subcore_barrier()

    @pl.loop(0, CH, step=RING)
    def _(j):
        for p in range(0, RING, 2):
            t0, t1 = p, p + 1
            pltpu.make_async_copy(src_hbm.at[wid, 0],
                                  src_ring.at[t0], ssems[t0]).wait()
            pltpu.async_copy(hs_hbm.at[src_ring.at[t0]], rows0, gsem0)
            pltpu.make_async_copy(src_hbm.at[wid, 0],
                                  src_ring.at[t1], ssems[t1]).wait()
            pltpu.async_copy(hs_hbm.at[src_ring.at[t1]], rows1, gsem1)
            pltpu.make_async_copy(hs_hbm.at[src_ring.at[t0]], rows0,
                                  gsem0).wait()
            pltpu.make_async_copy(hs_hbm.at[src_ring.at[t1]], rows1,
                                  gsem1).wait()

            @pl.when(j + RING < CH)
            def _():
                pltpu.async_copy(src_hbm.at[wid, j + RING + t0],
                                 src_ring.at[t0], ssems[t0])
                pltpu.async_copy(src_hbm.at[wid, j + RING + t1],
                                 src_ring.at[t1], ssems[t1])

            pltpu.make_async_copy(dst_hbm.at[wid, 0],
                                  dst_ring.at[t0], dsems[t0]).wait()
            pltpu.async_copy(rows0, acc_sh.at[dst_ring.at[t0]], gsem0,
                             add=True)
            pltpu.make_async_copy(dst_hbm.at[wid, 0],
                                  dst_ring.at[t1], dsems[t1]).wait()
            pltpu.async_copy(rows1, acc_sh.at[dst_ring.at[t1]], gsem1,
                             add=True)
            pltpu.make_async_copy(rows0, acc_sh.at[dst_ring.at[t0]],
                                  gsem0).wait()
            pltpu.make_async_copy(rows1, acc_sh.at[dst_ring.at[t1]],
                                  gsem1).wait()

            @pl.when(j + RING < CH)
            def _():
                pltpu.async_copy(dst_hbm.at[wid, j + RING + t0],
                                 dst_ring.at[t0], dsems[t0])
                pltpu.async_copy(dst_hbm.at[wid, j + RING + t1],
                                 dst_ring.at[t1], dsems[t1])

    plsc.subcore_barrier()
    pltpu.sync_copy(acc_sh.at[pl.ds(r0, RPS)], out_hbm.at[c, pl.ds(r0, RPS)])


@functools.partial(
    pl.kernel, mesh=_mesh, out_type=_f32(NT, NR),
    compiler_params=_sc_params,
    scratch_types=[pltpu.VMEM((CH, K), jnp.int32),
                   pltpu.VMEM((CH, K), jnp.int32),
                   pltpu.VMEM((NR,), jnp.float32),
                   pltpu.VMEM((NR,), jnp.float32)])
def _sc_scalar_aggregate(zs_hbm, src_hbm, dst_hbm, out_hbm,
                         src_iv, dst_iv, zs_v, acc_v):
    c = lax.axis_index("c")
    s = lax.axis_index("s")
    wid = s * NC + c
    pltpu.sync_copy(src_hbm.at[wid], src_iv)
    pltpu.sync_copy(dst_hbm.at[wid], dst_iv)
    pltpu.sync_copy(zs_hbm, zs_v)

    @pl.loop(0, NR, step=16)
    def _(i):
        acc_v[pl.ds(i, 16)] = jnp.zeros((16,), jnp.float32)

    @pl.loop(0, CH)
    def _(j):
        for k in range(K // 16):
            si = src_iv[j, pl.ds(k * 16, 16)]
            di = dst_iv[j, pl.ds(k * 16, 16)]
            vals = plsc.load_gather(zs_v, [si])
            plsc.addupdate_scatter(acc_v, [di], vals)

    pltpu.sync_copy(acc_v, out_hbm.at[wid])



_BLK = 1280
_GRID = NR // _BLK


def _mm_body(x_ref, w_ref, o_ref):
    o_ref[...] = lax.dot(x_ref[...], w_ref[...],
                         precision=lax.Precision.HIGHEST,
                         preferred_element_type=jnp.float32)


def _tc_matmul(xp, W1):
    return pl.pallas_call(
        _mm_body,
        grid=(_GRID,),
        in_specs=[pl.BlockSpec((_BLK, D), lambda i: (i, 0)),
                  pl.BlockSpec((D, D), lambda i: (0, 0))],
        out_specs=pl.BlockSpec((_BLK, D), lambda i: (i, 0)),
        out_shape=_f32(NR, D),
    )(xp, W1)


def _scale_body(hist_ref, h_ref, hs_ref, dinv_ref):
    deg = 1.0 + jnp.sum(hist_ref[...], axis=0)
    dinv = lax.rsqrt(deg)[:, None]
    dinv_ref[...] = dinv
    hs_ref[...] = h_ref[...] * dinv


def _tc_scale(hist, H):
    return pl.pallas_call(
        _scale_body,
        grid=(_GRID,),
        in_specs=[pl.BlockSpec((NT, _BLK), lambda i: (0, i)),
                  pl.BlockSpec((_BLK, D), lambda i: (i, 0))],
        out_specs=[pl.BlockSpec((_BLK, D), lambda i: (i, 0)),
                   pl.BlockSpec((_BLK, 1), lambda i: (i, 0))],
        out_shape=[_f32(NR, D), _f32(NR, 1)],
    )(hist, H)


def _mid_body(p_ref, hs_ref, dinv_ref, b1_ref, w2_ref, zs_ref):
    d = dinv_ref[...]
    h = d * (p_ref[0] + p_ref[1] - hs_ref[...]) + b1_ref[...]
    h = jnp.maximum(h, 0.0)
    z = jnp.sum(h * w2_ref[...], axis=1, keepdims=True)
    zs_ref[...] = d * z


def _tc_mid(P, Hs, dinv, b1r, w2r):
    return pl.pallas_call(
        _mid_body,
        grid=(_GRID,),
        in_specs=[pl.BlockSpec((NC, _BLK, D), lambda i: (0, i, 0)),
                  pl.BlockSpec((_BLK, D), lambda i: (i, 0)),
                  pl.BlockSpec((_BLK, 1), lambda i: (i, 0)),
                  pl.BlockSpec((1, D), lambda i: (0, 0)),
                  pl.BlockSpec((1, D), lambda i: (0, 0))],
        out_specs=pl.BlockSpec((_BLK, 1), lambda i: (i, 0)),
        out_shape=_f32(NR, 1),
    )(P, Hs, dinv, b1r, w2r)


def _final_body(q_ref, zs_ref, dinv_ref, b2_ref, o_ref):
    q = jnp.sum(q_ref[...], axis=0)[:, None]
    o_ref[...] = dinv_ref[...] * (q + zs_ref[...]) + b2_ref[...]


def _tc_final(Q, zs, dinv, b2r):
    return pl.pallas_call(
        _final_body,
        grid=(_GRID,),
        in_specs=[pl.BlockSpec((NT, _BLK), lambda i: (0, i)),
                  pl.BlockSpec((_BLK, 1), lambda i: (i, 0)),
                  pl.BlockSpec((_BLK, 1), lambda i: (i, 0)),
                  pl.BlockSpec((1, 1), lambda i: (0, 0))],
        out_specs=pl.BlockSpec((_BLK, 1), lambda i: (i, 0)),
        out_shape=_f32(NR, 1),
    )(Q, zs, dinv, b2r)



def kernel(x, edge_index, W1, b1, W2, b2):
    xp = jnp.pad(x, ((0, NR - N), (0, 0)))
    pad = N + jnp.arange(EPAD - E, dtype=edge_index.dtype) % (NR - N)
    src = jnp.concatenate([edge_index[0], pad]).reshape(NT, CH, K)
    dst = jnp.concatenate([edge_index[1], pad]).reshape(NT, CH, K)

    hist = _sc_degree(dst)
    H = _tc_matmul(xp, W1)
    Hs, dinv = _tc_scale(hist, H)
    P = _sc_aggregate(Hs, src, dst)
    zs = _tc_mid(P, Hs, dinv, b1.reshape(1, D), W2.reshape(1, D))
    Q = _sc_scalar_aggregate(zs.reshape(NR), src, dst)
    return _tc_final(Q, zs, dinv, b2.reshape(1, 1))[:N]

# --- scband reference (transcript-rebuilt; emitter-appended) ---
"""Pipeline reference for scband-gnn-regressor-20392504721511 (READ-ONLY COPY).

The authoritative reference and input builder live on the scoring server;
editing this copy changes nothing except your own understanding.
"""

import jax, jax.numpy as jnp
import numpy as np

N = 10000
E = 320000
D_IN = 128
D_HID = 128
D_OUT = 1


def gcn_conv(x, edge_index, W, b):
    # Faithful GCNConv: add self-loops, symmetric deg^{-1/2} normalization,
    # message = norm * (x W)[src], aggregate = scatter-add over dst, then + bias.
    n = x.shape[0]
    loop = jnp.arange(n, dtype=edge_index.dtype)
    src = jnp.concatenate([edge_index[0], loop])
    dst = jnp.concatenate([edge_index[1], loop])
    ones = jnp.ones(src.shape[0], dtype=x.dtype)
    deg = jax.ops.segment_sum(ones, dst, num_segments=n)
    dinv = jnp.where(deg > 0, jax.lax.rsqrt(jnp.maximum(deg, 1e-12)), 0.0)
    norm = dinv[src] * dinv[dst]
    h = x @ W
    msg = h[src] * norm[:, None]
    out = jax.ops.segment_sum(msg, dst, num_segments=n)
    return out + b


def setup_inputs(seed: int = 0) -> dict:
    key = jax.random.key(seed)
    k1, k2, k3, k4 = jax.random.split(key, 4)
    x = jax.random.normal(k1, (N, D_IN), dtype=jnp.float32)
    edge_index = jax.random.randint(k2, (2, E), 0, N, dtype=jnp.int32)
    # Glorot-style init for GCNConv linear weights, zero bias (PyG default)
    s1 = float(np.sqrt(6.0 / (D_IN + D_HID)))
    W1 = jax.random.uniform(k3, (D_IN, D_HID), dtype=jnp.float32, minval=-s1, maxval=s1)
    b1 = jnp.zeros((D_HID,), dtype=jnp.float32)
    s2 = float(np.sqrt(6.0 / (D_HID + D_OUT)))
    W2 = jax.random.uniform(k4, (D_HID, D_OUT), dtype=jnp.float32, minval=-s2, maxval=s2)
    b2 = jnp.zeros((D_OUT,), dtype=jnp.float32)
    return {"x": x, "edge_index": edge_index, "W1": W1, "b1": b1, "W2": W2, "b2": b2}


def reference(x, edge_index, W1, b1, W2, b2):
    # forward: conv1 -> relu -> (dropout is identity in eval) -> conv2
    h = gcn_conv(x, edge_index, W1, b1)
    h = jax.nn.relu(h)
    out = gcn_conv(h, edge_index, W2, b2)
    return out

if __name__ == "__main__":
    import jax
    _d = setup_inputs()
    print(jax.jit(kernel)(*tuple(_d.values())))

</pallas_src>

<mosaic_0001>
#map = affine_map<(d0, d1) -> (0, 0)>
#map1 = affine_map<(d0, d1) -> (0, 0, 0)>
module attributes {stable_mosaic.version = 14 : i64} {
  func.func @_sc_aggregate(%arg0: i32, %arg1: i32, %arg2: memref<10240x128xf32, #tpu.memory_space<hbm>>, %arg3: memref<32x80x128xi32, #tpu.memory_space<hbm>>, %arg4: memref<32x80x128xi32, #tpu.memory_space<hbm>>, %arg5: memref<2x10240x128xf32, #tpu.memory_space<hbm>>, %arg6: memref<4x128xi32, #tpu.memory_space<vmem>>, %arg7: memref<4x128xi32, #tpu.memory_space<vmem>>, %arg8: memref<128x128xf32, #tpu.memory_space<vmem>>, %arg9: memref<128x128xf32, #tpu.memory_space<vmem>>, %arg10: memref<10240x128xf32, #tpu.memory_space<vmem_shared>>, %arg11: memref<!tpu.dma_semaphore, #tpu.memory_space<semaphore_mem>>, %arg12: memref<!tpu.dma_semaphore, #tpu.memory_space<semaphore_mem>>, %arg13: memref<!tpu.dma_semaphore, #tpu.memory_space<semaphore_mem>>, %arg14: memref<!tpu.dma_semaphore, #tpu.memory_space<semaphore_mem>>, %arg15: memref<!tpu.dma_semaphore, #tpu.memory_space<semaphore_mem>>, %arg16: memref<!tpu.dma_semaphore, #tpu.memory_space<semaphore_mem>>, %arg17: memref<!tpu.dma_semaphore, #tpu.memory_space<semaphore_mem>>, %arg18: memref<!tpu.dma_semaphore, #tpu.memory_space<semaphore_mem>>, %arg19: memref<!tpu.dma_semaphore, #tpu.memory_space<semaphore_mem>>, %arg20: memref<!tpu.dma_semaphore, #tpu.memory_space<semaphore_mem>>) attributes {dimension_semantics = [#tpu.dimension_semantics<core_parallel>, #tpu.dimension_semantics<subcore_parallel>], iteration_bounds = array<i64: 2, 16>, scalar_prefetch = 0 : i64, scratch_operands = 15 : i64, tpu.core_type = #tpu.core_type<sc_vector_subcore>, window_params = [{transform_indices = #map}, {transform_indices = #map1}, {transform_indices = #map1}, {transform_indices = #map1}]} {
    %mul3A = arith.constant 2 : i32
    %mul3A_0 = arith.muli %arg1, %mul3A : i32
    %add3A = arith.addi %mul3A_0, %arg0 : i32
    %dma_start3A = arith.constant 0 : i32
    %dma_start3A_1 = arith.constant 0 : i32
    %dma_start3A_2 = arith.constant 0 : i32
    %dma_start3A_3 = tpu.memref_slice %arg6[%dma_start3A_1, %dma_start3A_2] : memref<4x128xi32, #tpu.memory_space<vmem>> -> memref<1x128xi32, #tpu.memory_space<vmem>>
    %dma_start3A_4 = tpu.memref_squeeze %dma_start3A_3 : memref<1x128xi32, #tpu.memory_space<vmem>> -> memref<128xi32, #tpu.memory_space<vmem>>
    %dma_start3A_5 = arith.constant 0 : i32
    %dma_start3A_6 = tpu.memref_slice %arg3[%add3A, %dma_start3A, %dma_start3A_5] : memref<32x80x128xi32, #tpu.memory_space<hbm>> -> memref<1x1x128xi32, #tpu.memory_space<hbm>>
    %dma_start3A_7 = tpu.memref_squeeze %dma_start3A_6 : memref<1x1x128xi32, #tpu.memory_space<hbm>> -> memref<128xi32, #tpu.memory_space<hbm>>
    %dma_start3A_8 = arith.constant 0 : i32
    %dma_start3A_9 = tpu.memref_slice %arg6[%dma_start3A_1, %dma_start3A_8] : memref<4x128xi32, #tpu.memory_space<vmem>> -> memref<1x128xi32, #tpu.memory_space<vmem>>
    %dma_start3A_10 = tpu.memref_squeeze %dma_start3A_9 : memref<1x128xi32, #tpu.memory_space<vmem>> -> memref<128xi32, #tpu.memory_space<vmem>>
    %dma_start3A_11 = arith.constant 0 : i32
    %dma_start3A_12 = tpu.memref_slice %arg3[%add3A, %dma_start3A, %dma_start3A_11] : memref<32x80x128xi32, #tpu.memory_space<hbm>> -> memref<1x1x128xi32, #tpu.memory_space<hbm>>
    %dma_start3A_13 = tpu.memref_squeeze %dma_start3A_12 : memref<1x1x128xi32, #tpu.memory_space<hbm>> -> memref<128xi32, #tpu.memory_space<hbm>>
    tpu.enqueue_dma source(%dma_start3A_13 : memref<128xi32, #tpu.memory_space<hbm>>) target(%dma_start3A_10 : memref<128xi32, #tpu.memory_space<vmem>>) target_semaphore(%arg13 : memref<!tpu.dma_semaphore, #tpu.memory_space<semaphore_mem>>)
    %dma_start3A_14 = arith.constant 0 : i32
    %dma_start3A_15 = arith.constant 0 : i32
    %dma_start3A_16 = arith.constant 0 : i32
    %dma_start3A_17 = tpu.memref_slice %arg7[%dma_start3A_15, %dma_start3A_16] : memref<4x128xi32, #tpu.memory_space<vmem>> -> memref<1x128xi32, #tpu.memory_space<vmem>>
    %dma_start3A_18 = tpu.memref_squeeze %dma_start3A_17 : memref<1x128xi32, #tpu.memory_space<vmem>> -> memref<128xi32, #tpu.memory_space<vmem>>
    %dma_start3A_19 = arith.constant 0 : i32
    %dma_start3A_20 = tpu.memref_slice %arg4[%add3A, %dma_start3A_14, %dma_start3A_19] : memref<32x80x128xi32, #tpu.memory_space<hbm>> -> memref<1x1x128xi32, #tpu.memory_space<hbm>>
    %dma_start3A_21 = tpu.memref_squeeze %dma_start3A_20 : memref<1x1x128xi32, #tpu.memory_space<hbm>> -> memref<128xi32, #tpu.memory_space<hbm>>
    %dma_start3A_22 = arith.constant 0 : i32
    %dma_start3A_23 = tpu.memref_slice %arg7[%dma_start3A_15, %dma_start3A_22] : memref<4x128xi32, #tpu.memory_space<vmem>> -> memref<1x128xi32, #tpu.memory_space<vmem>>
    %dma_start3A_24 = tpu.memref_squeeze %dma_start3A_23 : memref<1x128xi32, #tpu.memory_space<vmem>> -> memref<128xi32, #tpu.memory_space<vmem>>
    %dma_start3A_25 = arith.constant 0 : i32
    %dma_start3A_26 = tpu.memref_slice %arg4[%add3A, %dma_start3A_14, %dma_start3A_25] : memref<32x80x128xi32, #tpu.memory_space<hbm>> -> memref<1x1x128xi32, #tpu.memory_space<hbm>>
    %dma_start3A_27 = tpu.memref_squeeze %dma_start3A_26 : memref<1x1x128xi32, #tpu.memory_space<hbm>> -> memref<128xi32, #tpu.memory_space<hbm>>
    tpu.enqueue_dma source(%dma_start3A_27 : memref<128xi32, #tpu.memory_space<hbm>>) target(%dma_start3A_24 : memref<128xi32, #tpu.memory_space<vmem>>) target_semaphore(%arg17 : memref<!tpu.dma_semaphore, #tpu.memory_space<semaphore_mem>>)
    %dma_start3A_28 = arith.constant 1 : i32
    %dma_start3A_29 = arith.constant 1 : i32
    %dma_start3A_30 = arith.constant 0 : i32
    %dma_start3A_31 = tpu.memref_slice %arg6[%dma_start3A_29, %dma_start3A_30] : memref<4x128xi32, #tpu.memory_space<vmem>> -> memref<1x128xi32, #tpu.memory_space<vmem>>
    %dma_start3A_32 = tpu.memref_squeeze %dma_start3A_31 : memref<1x128xi32, #tpu.memory_space<vmem>> -> memref<128xi32, #tpu.memory_space<vmem>>
    %dma_start3A_33 = arith.constant 0 : i32
    %dma_start3A_34 = tpu.memref_slice %arg3[%add3A, %dma_start3A_28, %dma_start3A_33] : memref<32x80x128xi32, #tpu.memory_space<hbm>> -> memref<1x1x128xi32, #tpu.memory_space<hbm>>
    %dma_start3A_35 = tpu.memref_squeeze %dma_start3A_34 : memref<1x1x128xi32, #tpu.memory_space<hbm>> -> memref<128xi32, #tpu.memory_space<hbm>>
    %dma_start3A_36 = arith.constant 0 : i32
    %dma_start3A_37 = tpu.memref_slice %arg6[%dma_start3A_29, %dma_start3A_36] : memref<4x128xi32, #tpu.memory_space<vmem>> -> memref<1x128xi32, #tpu.memory_space<vmem>>
    %dma_start3A_38 = tpu.memref_squeeze %dma_start3A_37 : memref<1x128xi32, #tpu.memory_space<vmem>> -> memref<128xi32, #tpu.memory_space<vmem>>
    %dma_start3A_39 = arith.constant 0 : i32
    %dma_start3A_40 = tpu.memref_slice %arg3[%add3A, %dma_start3A_28, %dma_start3A_39] : memref<32x80x128xi32, #tpu.memory_space<hbm>> -> memref<1x1x128xi32, #tpu.memory_space<hbm>>
    %dma_start3A_41 = tpu.memref_squeeze %dma_start3A_40 : memref<1x1x128xi32, #tpu.memory_space<hbm>> -> memref<128xi32, #tpu.memory_space<hbm>>
    tpu.enqueue_dma source(%dma_start3A_41 : memref<128xi32, #tpu.memory_space<hbm>>) target(%dma_start3A_38 : memref<128xi32, #tpu.memory_space<vmem>>) target_semaphore(%arg14 : memref<!tpu.dma_semaphore, #tpu.memory_space<semaphore_mem>>)
    %dma_start3A_42 = arith.constant 1 : i32
    %dma_start3A_43 = arith.constant 1 : i32
    %dma_start3A_44 = arith.constant 0 : i32
    %dma_start3A_45 = tpu.memref_slice %arg7[%dma_start3A_43, %dma_start3A_44] : memref<4x128xi32, #tpu.memory_space<vmem>> -> memref<1x128xi32, #tpu.memory_space<vmem>>
    %dma_start3A_46 = tpu.memref_squeeze %dma_start3A_45 : memref<1x128xi32, #tpu.memory_space<vmem>> -> memref<128xi32, #tpu.memory_space<vmem>>
    %dma_start3A_47 = arith.constant 0 : i32
    %dma_start3A_48 = tpu.memref_slice %arg4[%add3A, %dma_start3A_42, %dma_start3A_47] : memref<32x80x128xi32, #tpu.memory_space<hbm>> -> memref<1x1x128xi32, #tpu.memory_space<hbm>>
    %dma_start3A_49 = tpu.memref_squeeze %dma_start3A_48 : memref<1x1x128xi32, #tpu.memory_space<hbm>> -> memref<128xi32, #tpu.memory_space<hbm>>
    %dma_start3A_50 = arith.constant 0 : i32
    %dma_start3A_51 = tpu.memref_slice %arg7[%dma_start3A_43, %dma_start3A_50] : memref<4x128xi32, #tpu.memory_space<vmem>> -> memref<1x128xi32, #tpu.memory_space<vmem>>
    %dma_start3A_52 = tpu.memref_squeeze %dma_start3A_51 : memref<1x128xi32, #tpu.memory_space<vmem>> -> memref<128xi32, #tpu.memory_space<vmem>>
    %dma_start3A_53 = arith.constant 0 : i32
    %dma_start3A_54 = tpu.memref_slice %arg4[%add3A, %dma_start3A_42, %dma_start3A_53] : memref<32x80x128xi32, #tpu.memory_space<hbm>> -> memref<1x1x128xi32, #tpu.memory_space<hbm>>
    %dma_start3A_55 = tpu.memref_squeeze %dma_start3A_54 : memref<1x1x128xi32, #tpu.memory_space<hbm>> -> memref<128xi32, #tpu.memory_space<hbm>>
    tpu.enqueue_dma source(%dma_start3A_55 : memref<128xi32, #tpu.memory_space<hbm>>) target(%dma_start3A_52 : memref<128xi32, #tpu.memory_space<vmem>>) target_semaphore(%arg18 : memref<!tpu.dma_semaphore, #tpu.memory_space<semaphore_mem>>)
    %dma_start3A_56 = arith.constant 2 : i32
    %dma_start3A_57 = arith.constant 2 : i32
    %dma_start3A_58 = arith.constant 0 : i32
    %dma_start3A_59 = tpu.memref_slice %arg6[%dma_start3A_57, %dma_start3A_58] : memref<4x128xi32, #tpu.memory_space<vmem>> -> memref<1x128xi32, #tpu.memory_space<vmem>>
    %dma_start3A_60 = tpu.memref_squeeze %dma_start3A_59 : memref<1x128xi32, #tpu.memory_space<vmem>> -> memref<128xi32, #tpu.memory_space<vmem>>
    %dma_start3A_61 = arith.constant 0 : i32
    %dma_start3A_62 = tpu.memref_slice %arg3[%add3A, %dma_start3A_56, %dma_start3A_61] : memref<32x80x128xi32, #tpu.memory_space<hbm>> -> memref<1x1x128xi32, #tpu.memory_space<hbm>>
    %dma_start3A_63 = tpu.memref_squeeze %dma_start3A_62 : memref<1x1x128xi32, #tpu.memory_space<hbm>> -> memref<128xi32, #tpu.memory_space<hbm>>
    %dma_start3A_64 = arith.constant 0 : i32
    %dma_start3A_65 = tpu.memref_slice %arg6[%dma_start3A_57, %dma_start3A_64] : memref<4x128xi32, #tpu.memory_space<vmem>> -> memref<1x128xi32, #tpu.memory_space<vmem>>
    %dma_start3A_66 = tpu.memref_squeeze %dma_start3A_65 : memref<1x128xi32, #tpu.memory_space<vmem>> -> memref<128xi32, #tpu.memory_space<vmem>>
    %dma_start3A_67 = arith.constant 0 : i32
    %dma_start3A_68 = tpu.memref_slice %arg3[%add3A, %dma_start3A_56, %dma_start3A_67] : memref<32x80x128xi32, #tpu.memory_space<hbm>> -> memref<1x1x128xi32, #tpu.memory_space<hbm>>
    %dma_start3A_69 = tpu.memref_squeeze %dma_start3A_68 : memref<1x1x128xi32, #tpu.memory_space<hbm>> -> memref<128xi32, #tpu.memory_space<hbm>>
    tpu.enqueue_dma source(%dma_start3A_69 : memref<128xi32, #tpu.memory_space<hbm>>) target(%dma_start3A_66 : memref<128xi32, #tpu.memory_space<vmem>>) target_semaphore(%arg15 : memref<!tpu.dma_semaphore, #tpu.memory_space<semaphore_mem>>)
    %dma_start3A_70 = arith.constant 2 : i32
    %dma_start3A_71 = arith.constant 2 : i32
    %dma_start3A_72 = arith.constant 0 : i32
    %dma_start3A_73 = tpu.memref_slice %arg7[%dma_start3A_71, %dma_start3A_72] : memref<4x128xi32, #tpu.memory_space<vmem>> -> memref<1x128xi32, #tpu.memory_space<vmem>>
    %dma_start3A_74 = tpu.memref_squeeze %dma_start3A_73 : memref<1x128xi32, #tpu.memory_space<vmem>> -> memref<128xi32, #tpu.memory_space<vmem>>
    %dma_start3A_75 = arith.constant 0 : i32
    %dma_start3A_76 = tpu.memref_slice %arg4[%add3A, %dma_start3A_70, %dma_start3A_75] : memref<32x80x128xi32, #tpu.memory_space<hbm>> -> memref<1x1x128xi32, #tpu.memory_space<hbm>>
    %dma_start3A_77 = tpu.memref_squeeze %dma_start3A_76 : memref<1x1x128xi32, #tpu.memory_space<hbm>> -> memref<128xi32, #tpu.memory_space<hbm>>
    %dma_start3A_78 = arith.constant 0 : i32
    %dma_start3A_79 = tpu.memref_slice %arg7[%dma_start3A_71, %dma_start3A_78] : memref<4x128xi32, #tpu.memory_space<vmem>> -> memref<1x128xi32, #tpu.memory_space<vmem>>
    %dma_start3A_80 = tpu.memref_squeeze %dma_start3A_79 : memref<1x128xi32, #tpu.memory_space<vmem>> -> memref<128xi32, #tpu.memory_space<vmem>>
    %dma_start3A_81 = arith.constant 0 : i32
    %dma_start3A_82 = tpu.memref_slice %arg4[%add3A, %dma_start3A_70, %dma_start3A_81] : memref<32x80x128xi32, #tpu.memory_space<hbm>> -> memref<1x1x128xi32, #tpu.memory_space<hbm>>
    %dma_start3A_83 = tpu.memref_squeeze %dma_start3A_82 : memref<1x1x128xi32, #tpu.memory_space<hbm>> -> memref<128xi32, #tpu.memory_space<hbm>>
    tpu.enqueue_dma source(%dma_start3A_83 : memref<128xi32, #tpu.memory_space<hbm>>) target(%dma_start3A_80 : memref<128xi32, #tpu.memory_space<vmem>>) target_semaphore(%arg19 : memref<!tpu.dma_semaphore, #tpu.memory_space<semaphore_mem>>)
    %dma_start3A_84 = arith.constant 3 : i32
    %dma_start3A_85 = arith.constant 3 : i32
    %dma_start3A_86 = arith.constant 0 : i32
    %dma_start3A_87 = tpu.memref_slice %arg6[%dma_start3A_85, %dma_start3A_86] : memref<4x128xi32, #tpu.memory_space<vmem>> -> memref<1x128xi32, #tpu.memory_space<vmem>>
    %dma_start3A_88 = tpu.memref_squeeze %dma_start3A_87 : memref<1x128xi32, #tpu.memory_space<vmem>> -> memref<128xi32, #tpu.memory_space<vmem>>
    %dma_start3A_89 = arith.constant 0 : i32
    %dma_start3A_90 = tpu.memref_slice %arg3[%add3A, %dma_start3A_84, %dma_start3A_89] : memref<32x80x128xi32, #tpu.memory_space<hbm>> -> memref<1x1x128xi32, #tpu.memory_space<hbm>>
    %dma_start3A_91 = tpu.memref_squeeze %dma_start3A_90 : memref<1x1x128xi32, #tpu.memory_space<hbm>> -> memref<128xi32, #tpu.memory_space<hbm>>
    %dma_start3A_92 = arith.constant 0 : i32
    %dma_start3A_93 = tpu.memref_slice %arg6[%dma_start3A_85, %dma_start3A_92] : memref<4x128xi32, #tpu.memory_space<vmem>> -> memref<1x128xi32, #tpu.memory_space<vmem>>
    %dma_start3A_94 = tpu.memref_squeeze %dma_start3A_93 : memref<1x128xi32, #tpu.memory_space<vmem>> -> memref<128xi32, #tpu.memory_space<vmem>>
    %dma_start3A_95 = arith.constant 0 : i32
    %dma_start3A_96 = tpu.memref_slice %arg3[%add3A, %dma_start3A_84, %dma_start3A_95] : memref<32x80x128xi32, #tpu.memory_space<hbm>> -> memref<1x1x128xi32, #tpu.memory_space<hbm>>
    %dma_start3A_97 = tpu.memref_squeeze %dma_start3A_96 : memref<1x1x128xi32, #tpu.memory_space<hbm>> -> memref<128xi32, #tpu.memory_space<hbm>>
    tpu.enqueue_dma source(%dma_start3A_97 : memref<128xi32, #tpu.memory_space<hbm>>) target(%dma_start3A_94 : memref<128xi32, #tpu.memory_space<vmem>>) target_semaphore(%arg16 : memref<!tpu.dma_semaphore, #tpu.memory_space<semaphore_mem>>)
    %dma_start3A_98 = arith.constant 3 : i32
    %dma_start3A_99 = arith.constant 3 : i32
    %dma_start3A_100 = arith.constant 0 : i32
    %dma_start3A_101 = tpu.memref_slice %arg7[%dma_start3A_99, %dma_start3A_100] : memref<4x128xi32, #tpu.memory_space<vmem>> -> memref<1x128xi32, #tpu.memory_space<vmem>>
    %dma_start3A_102 = tpu.memref_squeeze %dma_start3A_101 : memref<1x128xi32, #tpu.memory_space<vmem>> -> memref<128xi32, #tpu.memory_space<vmem>>
    %dma_start3A_103 = arith.constant 0 : i32
    %dma_start3A_104 = tpu.memref_slice %arg4[%add3A, %dma_start3A_98, %dma_start3A_103] : memref<32x80x128xi32, #tpu.memory_space<hbm>> -> memref<1x1x128xi32, #tpu.memory_space<hbm>>
    %dma_start3A_105 = tpu.memref_squeeze %dma_start3A_104 : memref<1x1x128xi32, #tpu.memory_space<hbm>> -> memref<128xi32, #tpu.memory_space<hbm>>
    %dma_start3A_106 = arith.constant 0 : i32
    %dma_start3A_107 = tpu.memref_slice %arg7[%dma_start3A_99, %dma_start3A_106] : memref<4x128xi32, #tpu.memory_space<vmem>> -> memref<1x128xi32, #tpu.memory_space<vmem>>
    %dma_start3A_108 = tpu.memref_squeeze %dma_start3A_107 : memref<1x128xi32, #tpu.memory_space<vmem>> -> memref<128xi32, #tpu.memory_space<vmem>>
    %dma_start3A_109 = arith.constant 0 : i32
    %dma_start3A_110 = tpu.memref_slice %arg4[%add3A, %dma_start3A_98, %dma_start3A_109] : memref<32x80x128xi32, #tpu.memory_space<hbm>> -> memref<1x1x128xi32, #tpu.memory_space<hbm>>
    %dma_start3A_111 = tpu.memref_squeeze %dma_start3A_110 : memref<1x1x128xi32, #tpu.memory_space<hbm>> -> memref<128xi32, #tpu.memory_space<hbm>>
    tpu.enqueue_dma source(%dma_start3A_111 : memref<128xi32, #tpu.memory_space<hbm>>) target(%dma_start3A_108 : memref<128xi32, #tpu.memory_space<vmem>>) target_semaphore(%arg20 : memref<!tpu.dma_semaphore, #tpu.memory_space<semaphore_mem>>)
    %mul3A_112 = arith.constant 640 : i32
    %mul3A_113 = arith.muli %arg1, %mul3A_112 : i32
    "tpu.region"() ({
      %run_scoped3A = tpu.sem_alloc : memref<!tpu.dma_semaphore, #tpu.memory_space<semaphore_mem>>
      %dma_start3A_119 = arith.constant 0 : i32
      %dma_start3A_120 = tpu.memref_slice %arg10[%mul3A_113, %dma_start3A_119] : memref<10240x128xf32, #tpu.memory_space<vmem_shared>> -> memref<640x128xf32, #tpu.memory_space<vmem_shared>>
      %dma_start3A_121 = arith.constant 0 : i32
      %dma_start3A_122 = tpu.memref_slice %arg2[%mul3A_113, %dma_start3A_121] : memref<10240x128xf32, #tpu.memory_space<hbm>> -> memref<640x128xf32, #tpu.memory_space<hbm>>
      tpu.enqueue_dma source(%dma_start3A_122 : memref<640x128xf32, #tpu.memory_space<hbm>>) target(%dma_start3A_120 : memref<640x128xf32, #tpu.memory_space<vmem_shared>>) target_semaphore(%run_scoped3A : memref<!tpu.dma_semaphore, #tpu.memory_space<semaphore_mem>>)
      %dma_wait3A = arith.constant 0 : i32
      %dma_wait3A_123 = tpu.memref_slice %arg10[%mul3A_113, %dma_wait3A] : memref<10240x128xf32, #tpu.memory_space<vmem_shared>> -> memref<640x128xf32, #tpu.memory_space<vmem_shared>>
      %dma_wait3A_124 = arith.constant 0 : i32
      %dma_wait3A_125 = tpu.memref_slice %arg2[%mul3A_113, %dma_wait3A_124] : memref<10240x128xf32, #tpu.memory_space<hbm>> -> memref<640x128xf32, #tpu.memory_space<hbm>>
      tpu.wait_dma2 semaphore(%run_scoped3A : memref<!tpu.dma_semaphore, #tpu.memory_space<semaphore_mem>>) src(%dma_wait3A_125 : memref<640x128xf32, #tpu.memory_space<hbm>>) dst(%dma_wait3A_123 : memref<640x128xf32, #tpu.memory_space<vmem_shared>>)
      tpu.yield
    }) : () -> ()
    %barrier3A = arith.constant 0 : index
    tpu.barrier barrier_id(%barrier3A)
    %scan3A = arith.constant 0 : i32
    %scan3A_114 = arith.constant 20 : i32
    %scan3A_115 = arith.addi %scan3A, %scan3A_114 : i32
    %scan3A_116 = arith.constant 1 : i32
    scf.for %scan3A_119 = %scan3A to %scan3A_115 step %scan3A_116  : i32 {
      %mul3A_120 = arith.constant 4 : i32
      %mul3A_121 = arith.muli %scan3A_119, %mul3A_120 : i32
      %add3A_122 = arith.constant 0 : i32
      %add3A_123 = arith.addi %add3A_122, %mul3A_121 : i32
      %dma_wait3A = arith.constant 0 : i32
      %dma_wait3A_124 = arith.constant 0 : i32
      %dma_wait3A_125 = arith.constant 0 : i32
      %dma_wait3A_126 = tpu.memref_slice %arg6[%dma_wait3A_124, %dma_wait3A_125] : memref<4x128xi32, #tpu.memory_space<vmem>> -> memref<1x128xi32, #tpu.memory_space<vmem>>
      %dma_wait3A_127 = tpu.memref_squeeze %dma_wait3A_126 : memref<1x128xi32, #tpu.memory_space<vmem>> -> memref<128xi32, #tpu.memory_space<vmem>>
      %dma_wait3A_128 = arith.constant 0 : i32
      %dma_wait3A_129 = tpu.memref_slice %arg3[%add3A, %dma_wait3A, %dma_wait3A_128] : memref<32x80x128xi32, #tpu.memory_space<hbm>> -> memref<1x1x128xi32, #tpu.memory_space<hbm>>
      %dma_wait3A_130 = tpu.memref_squeeze %dma_wait3A_129 : memref<1x1x128xi32, #tpu.memory_space<hbm>> -> memref<128xi32, #tpu.memory_space<hbm>>
      %dma_wait3A_131 = arith.constant 0 : i32
      %dma_wait3A_132 = tpu.memref_slice %arg6[%dma_wait3A_124, %dma_wait3A_131] : memref<4x128xi32, #tpu.memory_space<vmem>> -> memref<1x128xi32, #tpu.memory_space<vmem>>
      %dma_wait3A_133 = tpu.memref_squeeze %dma_wait3A_132 : memref<1x128xi32, #tpu.memory_space<vmem>> -> memref<128xi32, #tpu.memory_space<vmem>>
      %dma_wait3A_134 = arith.constant 0 : i32
      %dma_wait3A_135 = tpu.memref_slice %arg3[%add3A, %dma_wait3A, %dma_wait3A_134] : memref<32x80x128xi32, #tpu.memory_space<hbm>> -> memref<1x1x128xi32, #tpu.memory_space<hbm>>
      %dma_wait3A_136 = tpu.memref_squeeze %dma_wait3A_135 : memref<1x1x128xi32, #tpu.memory_space<hbm>> -> memref<128xi32, #tpu.memory_space<hbm>>
      tpu.wait_dma2 semaphore(%arg13 : memref<!tpu.dma_semaphore, #tpu.memory_space<semaphore_mem>>) src(%dma_wait3A_136 : memref<128xi32, #tpu.memory_space<hbm>>) dst(%dma_wait3A_133 : memref<128xi32, #tpu.memory_space<vmem>>)
      %dma_start3A_137 = arith.constant 0 : i32
      %dma_start3A_138 = arith.constant 0 : i32
      %dma_start3A_139 = tpu.memref_slice %arg6[%dma_start3A_137, %dma_start3A_138] : memref<4x128xi32, #tpu.memory_space<vmem>> -> memref<1x128xi32, #tpu.memory_space<vmem>>
      %dma_start3A_140 = tpu.memref_squeeze %dma_start3A_139 : memref<1x128xi32, #tpu.memory_space<vmem>> -> memref<128xi32, #tpu.memory_space<vmem>>
      %dma_start3A_141 = arith.constant 0 : i32
      %dma_start3A_142 = arith.constant 0 : i32
      %dma_start3A_143 = tpu.memref_slice %arg2[%dma_start3A_141, %dma_start3A_142] : memref<10240x128xf32, #tpu.memory_space<hbm>> -> memref<10240x128xf32, #tpu.memory_space<hbm>>
      tpu.enqueue_indirect_dma source(%dma_start3A_143 : memref<10240x128xf32, #tpu.memory_space<hbm>>) target(%arg8 : memref<128x128xf32, #tpu.memory_space<vmem>>) offsets(%dma_start3A_140 : memref<128xi32, #tpu.memory_space<vmem>>) semaphore(%arg11 : memref<!tpu.dma_semaphore, #tpu.memory_space<semaphore_mem>>)
      %dma_wait3A_144 = arith.constant 0 : i32
      %dma_wait3A_145 = arith.constant 1 : i32
      %dma_wait3A_146 = arith.constant 0 : i32
      %dma_wait3A_147 = tpu.memref_slice %arg6[%dma_wait3A_145, %dma_wait3A_146] : memref<4x128xi32, #tpu.memory_space<vmem>> -> memref<1x128xi32, #tpu.memory_space<vmem>>
      %dma_wait3A_148 = tpu.memref_squeeze %dma_wait3A_147 : memref<1x128xi32, #tpu.memory_space<vmem>> -> memref<128xi32, #tpu.memory_space<vmem>>
      %dma_wait3A_149 = arith.constant 0 : i32
      %dma_wait3A_150 = tpu.memref_slice %arg3[%add3A, %dma_wait3A_144, %dma_wait3A_149] : memref<32x80x128xi32, #tpu.memory_space<hbm>> -> memref<1x1x128xi32, #tpu.memory_space<hbm>>
      %dma_wait3A_151 = tpu.memref_squeeze %dma_wait3A_150 : memref<1x1x128xi32, #tpu.memory_space<hbm>> -> memref<128xi32, #tpu.memory_space<hbm>>
      %dma_wait3A_152 = arith.constant 0 : i32
      %dma_wait3A_153 = tpu.memref_slice %arg6[%dma_wait3A_145, %dma_wait3A_152] : memref<4x128xi32, #tpu.memory_space<vmem>> -> memref<1x128xi32, #tpu.memory_space<vmem>>
      %dma_wait3A_154 = tpu.memref_squeeze %dma_wait3A_153 : memref<1x128xi32, #tpu.memory_space<vmem>> -> memref<128xi32, #tpu.memory_space<vmem>>
      %dma_wait3A_155 = arith.constant 0 : i32
      %dma_wait3A_156 = tpu.memref_slice %arg3[%add3A, %dma_wait3A_144, %dma_wait3A_155] : memref<32x80x128xi32, #tpu.memory_space<hbm>> -> memref<1x1x128xi32, #tpu.memory_space<hbm>>
      %dma_wait3A_157 = tpu.memref_squeeze %dma_wait3A_156 : memref<1x1x128xi32, #tpu.memory_space<hbm>> -> memref<128xi32, #tpu.memory_space<hbm>>
      tpu.wait_dma2 semaphore(%arg14 : memref<!tpu.dma_semaphore, #tpu.memory_space<semaphore_mem>>) src(%dma_wait3A_157 : memref<128xi32, #tpu.memory_space<hbm>>) dst(%dma_wait3A_154 : memref<128xi32, #tpu.memory_space<vmem>>)
      %dma_start3A_158 = arith.constant 1 : i32
      %dma_start3A_159 = arith.constant 0 : i32
      %dma_start3A_160 = tpu.memref_slice %arg6[%dma_start3A_158, %dma_start3A_159] : memref<4x128xi32, #tpu.memory_space<vmem>> -> memref<1x128xi32, #tpu.memory_space<vmem>>
      %dma_start3A_161 = tpu.memref_squeeze %dma_start3A_160 : memref<1x128xi32, #tpu.memory_space<vmem>> -> memref<128xi32, #tpu.memory_space<vmem>>
      %dma_start3A_162 = arith.constant 0 : i32
      %dma_start3A_163 = arith.constant 0 : i32
      %dma_start3A_164 = tpu.memref_slice %arg2[%dma_start3A_162, %dma_start3A_163] : memref<10240x128xf32, #tpu.memory_space<hbm>> -> memref<10240x128xf32, #tpu.memory_space<hbm>>
      tpu.enqueue_indirect_dma source(%dma_start3A_164 : memref<10240x128xf32, #tpu.memory_space<hbm>>) target(%arg9 : memref<128x128xf32, #tpu.memory_space<vmem>>) offsets(%dma_start3A_161 : memref<128xi32, #tpu.memory_space<vmem>>) semaphore(%arg12 : memref<!tpu.dma_semaphore, #tpu.memory_space<semaphore_mem>>)
      %dma_wait3A_165 = arith.constant 0 : i32
      %dma_wait3A_166 = arith.constant 0 : i32
      %dma_wait3A_167 = tpu.memref_slice %arg6[%dma_wait3A_165, %dma_wait3A_166] : memref<4x128xi32, #tpu.memory_space<vmem>> -> memref<1x128xi32, #tpu.memory_space<vmem>>
      %dma_wait3A_168 = tpu.memref_squeeze %dma_wait3A_167 : memref<1x128xi32, #tpu.memory_space<vmem>> -> memref<128xi32, #tpu.memory_space<vmem>>
      %dma_wait3A_169 = arith.constant 0 : i32
      %dma_wait3A_170 = arith.constant 0 : i32
      %dma_wait3A_171 = tpu.memref_slice %arg2[%dma_wait3A_169, %dma_wait3A_170] : memref<10240x128xf32, #tpu.memory_space<hbm>> -> memref<10240x128xf32, #tpu.memory_space<hbm>>
      tpu.wait_indirect_dma semaphore(%arg11 : memref<!tpu.dma_semaphore, #tpu.memory_space<semaphore_mem>>) src(%dma_wait3A_171 : memref<10240x128xf32, #tpu.memory_space<hbm>>) dst(%arg8 : memref<128x128xf32, #tpu.memory_space<vmem>>)
      %dma_wait3A_172 = arith.constant 1 : i32
      %dma_wait3A_173 = arith.constant 0 : i32
      %dma_wait3A_174 = tpu.memref_slice %arg6[%dma_wait3A_172, %dma_wait3A_173] : memref<4x128xi32, #tpu.memory_space<vmem>> -> memref<1x128xi32, #tpu.memory_space<vmem>>
      %dma_wait3A_175 = tpu.memref_squeeze %dma_wait3A_174 : memref<1x128xi32, #tpu.memory_space<vmem>> -> memref<128xi32, #tpu.memory_space<vmem>>
      %dma_wait3A_176 = arith.constant 0 : i32
      %dma_wait3A_177 = arith.constant 0 : i32
      %dma_wait3A_178 = tpu.memref_slice %arg2[%dma_wait3A_176, %dma_wait3A_177] : memref<10240x128xf32, #tpu.memory_space<hbm>> -> memref<10240x128xf32, #tpu.memory_space<hbm>>
      tpu.wait_indirect_dma semaphore(%arg12 : memref<!tpu.dma_semaphore, #tpu.memory_space<semaphore_mem>>) src(%dma_wait3A_178 : memref<10240x128xf32, #tpu.memory_space<hbm>>) dst(%arg9 : memref<128x128xf32, #tpu.memory_space<vmem>>)
      %add3A_179 = arith.constant 4 : i32
      %add3A_180 = arith.addi %add3A_123, %add3A_179 : i32
      %lt3A = arith.constant 80 : i32
      %lt3A_181 = arith.cmpi slt, %add3A_180, %lt3A : i32
      %convert_element_type3A = arith.extui %lt3A_181 : i1 to i32
      %cond3A = arith.constant 0 : i32
      %cond3A_182 = arith.cmpi ne, %convert_element_type3A, %cond3A : i32
      scf.if %cond3A_182 {
        %add3A_372 = arith.constant 4 : i32
        %add3A_373 = arith.addi %add3A_123, %add3A_372 : i32
        %add3A_374 = arith.constant 0 : i32
        %add3A_375 = arith.addi %add3A_373, %add3A_374 : i32
        %dma_start3A_376 = arith.constant 0 : i32
        %dma_start3A_377 = arith.constant 0 : i32
        %dma_start3A_378 = tpu.memref_slice %arg6[%dma_start3A_376, %dma_start3A_377] : memref<4x128xi32, #tpu.memory_space<vmem>> -> memref<1x128xi32, #tpu.memory_space<vmem>>
        %dma_start3A_379 = tpu.memref_squeeze %dma_start3A_378 : memref<1x128xi32, #tpu.memory_space<vmem>> -> memref<128xi32, #tpu.memory_space<vmem>>
        %dma_start3A_380 = arith.constant 0 : i32
        %dma_start3A_381 = tpu.memref_slice %arg3[%add3A, %add3A_375, %dma_start3A_380] : memref<32x80x128xi32, #tpu.memory_space<hbm>> -> memref<1x1x128xi32, #tpu.memory_space<hbm>>
        %dma_start3A_382 = tpu.memref_squeeze %dma_start3A_381 : memref<1x1x128xi32, #tpu.memory_space<hbm>> -> memref<128xi32, #tpu.memory_space<hbm>>
        %dma_start3A_383 = arith.constant 0 : i32
        %dma_start3A_384 = tpu.memref_slice %arg6[%dma_start3A_376, %dma_start3A_383] : memref<4x128xi32, #tpu.memory_space<vmem>> -> memref<1x128xi32, #tpu.memory_space<vmem>>
        %dma_start3A_385 = tpu.memref_squeeze %dma_start3A_384 : memref<1x128xi32, #tpu.memory_space<vmem>> -> memref<128xi32, #tpu.memory_space<vmem>>
        %dma_start3A_386 = arith.constant 0 : i32
        %dma_start3A_387 = tpu.memref_slice %arg3[%add3A, %add3A_375, %dma_start3A_386] : memref<32x80x128xi32, #tpu.memory_space<hbm>> -> memref<1x1x128xi32, #tpu.memory_space<hbm>>
        %dma_start3A_388 = tpu.memref_squeeze %dma_start3A_387 : memref<1x1x128xi32, #tpu.memory_space<hbm>> -> memref<128xi32, #tpu.memory_space<hbm>>
        tpu.enqueue_dma source(%dma_start3A_388 : memref<128xi32, #tpu.memory_space<hbm>>) target(%dma_start3A_385 : memref<128xi32, #tpu.memory_space<vmem>>) target_semaphore(%arg13 : memref<!tpu.dma_semaphore, #tpu.memory_space<semaphore_mem>>)
        %add3A_389 = arith.constant 4 : i32
        %add3A_390 = arith.addi %add3A_123, %add3A_389 : i32
        %add3A_391 = arith.constant 1 : i32
        %add3A_392 = arith.addi %add3A_390, %add3A_391 : i32
        %dma_start3A_393 = arith.constant 1 : i32
        %dma_start3A_394 = arith.constant 0 : i32
        %dma_start3A_395 = tpu.memref_slice %arg6[%dma_start3A_393, %dma_start3A_394] : memref<4x128xi32, #tpu.memory_space<vmem>> -> memref<1x128xi32, #tpu.memory_space<vmem>>
        %dma_start3A_396 = tpu.memref_squeeze %dma_start3A_395 : memref<1x128xi32, #tpu.memory_space<vmem>> -> memref<128xi32, #tpu.memory_space<vmem>>
        %dma_start3A_397 = arith.constant 0 : i32
        %dma_start3A_398 = tpu.memref_slice %arg3[%add3A, %add3A_392, %dma_start3A_397] : memref<32x80x128xi32, #tpu.memory_space<hbm>> -> memref<1x1x128xi32, #tpu.memory_space<hbm>>
        %dma_start3A_399 = tpu.memref_squeeze %dma_start3A_398 : memref<1x1x128xi32, #tpu.memory_space<hbm>> -> memref<128xi32, #tpu.memory_space<hbm>>
        %dma_start3A_400 = arith.constant 0 : i32
        %dma_start3A_401 = tpu.memref_slice %arg6[%dma_start3A_393, %dma_start3A_400] : memref<4x128xi32, #tpu.memory_space<vmem>> -> memref<1x128xi32, #tpu.memory_space<vmem>>
        %dma_start3A_402 = tpu.memref_squeeze %dma_start3A_401 : memref<1x128xi32, #tpu.memory_space<vmem>> -> memref<128xi32, #tpu.memory_space<vmem>>
        %dma_start3A_403 = arith.constant 0 : i32
        %dma_start3A_404 = tpu.memref_slice %arg3[%add3A, %add3A_392, %dma_start3A_403] : memref<32x80x128xi32, #tpu.memory_space<hbm>> -> memref<1x1x128xi32, #tpu.memory_space<hbm>>
        %dma_start3A_405 = tpu.memref_squeeze %dma_start3A_404 : memref<1x1x128xi32, #tpu.memory_space<hbm>> -> memref<128xi32, #tpu.memory_space<hbm>>
        tpu.enqueue_dma source(%dma_start3A_405 : memref<128xi32, #tpu.memory_space<hbm>>) target(%dma_start3A_402 : memref<128xi32, #tpu.memory_space<vmem>>) target_semaphore(%arg14 : memref<!tpu.dma_semaphore, #tpu.memory_space<semaphore_mem>>)
      } else {
      }
      %dma_wait3A_183 = arith.constant 0 : i32
      %dma_wait3A_184 = arith.constant 0 : i32
      %dma_wait3A_185 = arith.constant 0 : i32
      %dma_wait3A_186 = tpu.memref_slice %arg7[%dma_wait3A_184, %dma_wait3A_185] : memref<4x128xi32, #tpu.memory_space<vmem>> -> memref<1x128xi32, #tpu.memory_space<vmem>>
      %dma_wait3A_187 = tpu.memref_squeeze %dma_wait3A_186 : memref<1x128xi32, #tpu.memory_space<vmem>> -> memref<128xi32, #tpu.memory_space<vmem>>
      %dma_wait3A_188 = arith.constant 0 : i32
      %dma_wait3A_189 = tpu.memref_slice %arg4[%add3A, %dma_wait3A_183, %dma_wait3A_188] : memref<32x80x128xi32, #tpu.memory_space<hbm>> -> memref<1x1x128xi32, #tpu.memory_space<hbm>>
      %dma_wait3A_190 = tpu.memref_squeeze %dma_wait3A_189 : memref<1x1x128xi32, #tpu.memory_space<hbm>> -> memref<128xi32, #tpu.memory_space<hbm>>
      %dma_wait3A_191 = arith.constant 0 : i32
      %dma_wait3A_192 = tpu.memref_slice %arg7[%dma_wait3A_184, %dma_wait3A_191] : memref<4x128xi32, #tpu.memory_space<vmem>> -> memref<1x128xi32, #tpu.memory_space<vmem>>
      %dma_wait3A_193 = tpu.memref_squeeze %dma_wait3A_192 : memref<1x128xi32, #tpu.memory_space<vmem>> -> memref<128xi32, #tpu.memory_space<vmem>>
      %dma_wait3A_194 = arith.constant 0 : i32
      %dma_wait3A_195 = tpu.memref_slice %arg4[%add3A, %dma_wait3A_183, %dma_wait3A_194] : memref<32x80x128xi32, #tpu.memory_space<hbm>> -> memref<1x1x128xi32, #tpu.memory_space<hbm>>
      %dma_wait3A_196 = tpu.memref_squeeze %dma_wait3A_195 : memref<1x1x128xi32, #tpu.memory_space<hbm>> -> memref<128xi32, #tpu.memory_space<hbm>>
      tpu.wait_dma2 semaphore(%arg17 : memref<!tpu.dma_semaphore, #tpu.memory_space<semaphore_mem>>) src(%dma_wait3A_196 : memref<128xi32, #tpu.memory_space<hbm>>) dst(%dma_wait3A_193 : memref<128xi32, #tpu.memory_space<vmem>>)
      %dma_start3A_197 = arith.constant 0 : i32
      %dma_start3A_198 = arith.constant 0 : i32
      %dma_start3A_199 = tpu.memref_slice %arg7[%dma_start3A_197, %dma_start3A_198] : memref<4x128xi32, #tpu.memory_space<vmem>> -> memref<1x128xi32, #tpu.memory_space<vmem>>
      %dma_start3A_200 = tpu.memref_squeeze %dma_start3A_199 : memref<1x128xi32, #tpu.memory_space<vmem>> -> memref<128xi32, #tpu.memory_space<vmem>>
      %dma_start3A_201 = arith.constant 0 : i32
      %dma_start3A_202 = arith.constant 0 : i32
      %dma_start3A_203 = tpu.memref_slice %arg10[%dma_start3A_201, %dma_start3A_202] : memref<10240x128xf32, #tpu.memory_space<vmem_shared>> -> memref<10240x128xf32, #tpu.memory_space<vmem_shared>>
      tpu.enqueue_indirect_dma source(%arg8 : memref<128x128xf32, #tpu.memory_space<vmem>>) target(%dma_start3A_203 : memref<10240x128xf32, #tpu.memory_space<vmem_shared>>) offsets(%dma_start3A_200 : memref<128xi32, #tpu.memory_space<vmem>>) semaphore(%arg11 : memref<!tpu.dma_semaphore, #tpu.memory_space<semaphore_mem>>) {add = true}
      %dma_wait3A_204 = arith.constant 0 : i32
      %dma_wait3A_205 = arith.constant 1 : i32
      %dma_wait3A_206 = arith.constant 0 : i32
      %dma_wait3A_207 = tpu.memref_slice %arg7[%dma_wait3A_205, %dma_wait3A_206] : memref<4x128xi32, #tpu.memory_space<vmem>> -> memref<1x128xi32, #tpu.memory_space<vmem>>
      %dma_wait3A_208 = tpu.memref_squeeze %dma_wait3A_207 : memref<1x128xi32, #tpu.memory_space<vmem>> -> memref<128xi32, #tpu.memory_space<vmem>>
      %dma_wait3A_209 = arith.constant 0 : i32
      %dma_wait3A_210 = tpu.memref_slice %arg4[%add3A, %dma_wait3A_204, %dma_wait3A_209] : memref<32x80x128xi32, #tpu.memory_space<hbm>> -> memref<1x1x128xi32, #tpu.memory_space<hbm>>
      %dma_wait3A_211 = tpu.memref_squeeze %dma_wait3A_210 : memref<1x1x128xi32, #tpu.memory_space<hbm>> -> memref<128xi32, #tpu.memory_space<hbm>>
      %dma_wait3A_212 = arith.constant 0 : i32
      %dma_wait3A_213 = tpu.memref_slice %arg7[%dma_wait3A_205, %dma_wait3A_212] : memref<4x128xi32, #tpu.memory_space<vmem>> -> memref<1x128xi32, #tpu.memory_space<vmem>>
      %dma_wait3A_214 = tpu.memref_squeeze %dma_wait3A_213 : memref<1x128xi32, #tpu.memory_space<vmem>> -> memref<128xi32, #tpu.memory_space<vmem>>
      %dma_wait3A_215 = arith.constant 0 : i32
      %dma_wait3A_216 = tpu.memref_slice %arg4[%add3A, %dma_wait3A_204, %dma_wait3A_215] : memref<32x80x128xi32, #tpu.memory_space<hbm>> -> memref<1x1x128xi32, #tpu.memory_space<hbm>>
      %dma_wait3A_217 = tpu.memref_squeeze %dma_wait3A_216 : memref<1x1x128xi32, #tpu.memory_space<hbm>> -> memref<128xi32, #tpu.memory_space<hbm>>
      tpu.wait_dma2 semaphore(%arg18 : memref<!tpu.dma_semaphore, #tpu.memory_space<semaphore_mem>>) src(%dma_wait3A_217 : memref<128xi32, #tpu.memory_space<hbm>>) dst(%dma_wait3A_214 : memref<128xi32, #tpu.memory_space<vmem>>)
      %dma_start3A_218 = arith.constant 1 : i32
      %dma_start3A_219 = arith.constant 0 : i32
      %dma_start3A_220 = tpu.memref_slice %arg7[%dma_start3A_218, %dma_start3A_219] : memref<4x128xi32, #tpu.memory_space<vmem>> -> memref<1x128xi32, #tpu.memory_space<vmem>>
      %dma_start3A_221 = tpu.memref_squeeze %dma_start3A_220 : memref<1x128xi32, #tpu.memory_space<vmem>> -> memref<128xi32, #tpu.memory_space<vmem>>
      %dma_start3A_222 = arith.constant 0 : i32
      %dma_start3A_223 = arith.constant 0 : i32
      %dma_start3A_224 = tpu.memref_slice %arg10[%dma_start3A_222, %dma_start3A_223] : memref<10240x128xf32, #tpu.memory_space<vmem_shared>> -> memref<10240x128xf32, #tpu.memory_space<vmem_shared>>
      tpu.enqueue_indirect_dma source(%arg9 : memref<128x128xf32, #tpu.memory_space<vmem>>) target(%dma_start3A_224 : memref<10240x128xf32, #tpu.memory_space<vmem_shared>>) offsets(%dma_start3A_221 : memref<128xi32, #tpu.memory_space<vmem>>) semaphore(%arg12 : memref<!tpu.dma_semaphore, #tpu.memory_space<semaphore_mem>>) {add = true}
      %dma_wait3A_225 = arith.constant 0 : i32
      %dma_wait3A_226 = arith.constant 0 : i32
      %dma_wait3A_227 = tpu.memref_slice %arg7[%dma_wait3A_225, %dma_wait3A_226] : memref<4x128xi32, #tpu.memory_space<vmem>> -> memref<1x128xi32, #tpu.memory_space<vmem>>
      %dma_wait3A_228 = tpu.memref_squeeze %dma_wait3A_227 : memref<1x128xi32, #tpu.memory_space<vmem>> -> memref<128xi32, #tpu.memory_space<vmem>>
      %dma_wait3A_229 = arith.constant 0 : i32
      %dma_wait3A_230 = arith.constant 0 : i32
      %dma_wait3A_231 = tpu.memref_slice %arg10[%dma_wait3A_229, %dma_wait3A_230] : memref<10240x128xf32, #tpu.memory_space<vmem_shared>> -> memref<10240x128xf32, #tpu.memory_space<vmem_shared>>
      tpu.wait_indirect_dma semaphore(%arg11 : memref<!tpu.dma_semaphore, #tpu.memory_space<semaphore_mem>>) src(%arg8 : memref<128x128xf32, #tpu.memory_space<vmem>>) dst(%dma_wait3A_231 : memref<10240x128xf32, #tpu.memory_space<vmem_shared>>)
      %dma_wait3A_232 = arith.constant 1 : i32
      %dma_wait3A_233 = arith.constant 0 : i32
      %dma_wait3A_234 = tpu.memref_slice %arg7[%dma_wait3A_232, %dma_wait3A_233] : memref<4x128xi32, #tpu.memory_space<vmem>> -> memref<1x128xi32, #tpu.memory_space<vmem>>
      %dma_wait3A_235 = tpu.memref_squeeze %dma_wait3A_234 : memref<1x128xi32, #tpu.memory_space<vmem>> -> memref<128xi32, #tpu.memory_space<vmem>>
      %dma_wait3A_236 = arith.constant 0 : i32
      %dma_wait3A_237 = arith.constant 0 : i32
      %dma_wait3A_238 = tpu.memref_slice %arg10[%dma_wait3A_236, %dma_wait3A_237] : memref<10240x128xf32, #tpu.memory_space<vmem_shared>> -> memref<10240x128xf32, #tpu.memory_space<vmem_shared>>
      tpu.wait_indirect_dma semaphore(%arg12 : memref<!tpu.dma_semaphore, #tpu.memory_space<semaphore_mem>>) src(%arg9 : memref<128x128xf32, #tpu.memory_space<vmem>>) dst(%dma_wait3A_238 : memref<10240x128xf32, #tpu.memory_space<vmem_shared>>)
      %add3A_239 = arith.constant 4 : i32
      %add3A_240 = arith.addi %add3A_123, %add3A_239 : i32
      %lt3A_241 = arith.constant 80 : i32
      %lt3A_242 = arith.cmpi slt, %add3A_240, %lt3A_241 : i32
      %convert_element_type3A_243 = arith.extui %lt3A_242 : i1 to i32
      %cond3A_244 = arith.constant 0 : i32
      %cond3A_245 = arith.cmpi ne, %convert_element_type3A_243, %cond3A_244 : i32
      scf.if %cond3A_245 {
        %add3A_372 = arith.constant 4 : i32
        %add3A_373 = arith.addi %add3A_123, %add3A_372 : i32
        %add3A_374 = arith.constant 0 : i32
        %add3A_375 = arith.addi %add3A_373, %add3A_374 : i32
        %dma_start3A_376 = arith.constant 0 : i32
        %dma_start3A_377 = arith.constant 0 : i32
        %dma_start3A_378 = tpu.memref_slice %arg7[%dma_start3A_376, %dma_start3A_377] : memref<4x128xi32, #tpu.memory_space<vmem>> -> memref<1x128xi32, #tpu.memory_space<vmem>>
        %dma_start3A_379 = tpu.memref_squeeze %dma_start3A_378 : memref<1x128xi32, #tpu.memory_space<vmem>> -> memref<128xi32, #tpu.memory_space<vmem>>
        %dma_start3A_380 = arith.constant 0 : i32
        %dma_start3A_381 = tpu.memref_slice %arg4[%add3A, %add3A_375, %dma_start3A_380] : memref<32x80x128xi32, #tpu.memory_space<hbm>> -> memref<1x1x128xi32, #tpu.memory_space<hbm>>
        %dma_start3A_382 = tpu.memref_squeeze %dma_start3A_381 : memref<1x1x128xi32, #tpu.memory_space<hbm>> -> memref<128xi32, #tpu.memory_space<hbm>>
        %dma_start3A_383 = arith.constant 0 : i32
        %dma_start3A_384 = tpu.memref_slice %arg7[%dma_start3A_376, %dma_start3A_383] : memref<4x128xi32, #tpu.memory_space<vmem>> -> memref<1x128xi32, #tpu.memory_space<vmem>>
        %dma_start3A_385 = tpu.memref_squeeze %dma_start3A_384 : memref<1x128xi32, #tpu.memory_space<vmem>> -> memref<128xi32, #tpu.memory_space<vmem>>
        %dma_start3A_386 = arith.constant 0 : i32
        %dma_start3A_387 = tpu.memref_slice %arg4[%add3A, %add3A_375, %dma_start3A_386] : memref<32x80x128xi32, #tpu.memory_space<hbm>> -> memref<1x1x128xi32, #tpu.memory_space<hbm>>
        %dma_start3A_388 = tpu.memref_squeeze %dma_start3A_387 : memref<1x1x128xi32, #tpu.memory_space<hbm>> -> memref<128xi32, #tpu.memory_space<hbm>>
        tpu.enqueue_dma source(%dma_start3A_388 : memref<128xi32, #tpu.memory_space<hbm>>) target(%dma_start3A_385 : memref<128xi32, #tpu.memory_space<vmem>>) target_semaphore(%arg17 : memref<!tpu.dma_semaphore, #tpu.memory_space<semaphore_mem>>)
        %add3A_389 = arith.constant 4 : i32
        %add3A_390 = arith.addi %add3A_123, %add3A_389 : i32
        %add3A_391 = arith.constant 1 : i32
        %add3A_392 = arith.addi %add3A_390, %add3A_391 : i32
        %dma_start3A_393 = arith.constant 1 : i32
        %dma_start3A_394 = arith.constant 0 : i32
        %dma_start3A_395 = tpu.memref_slice %arg7[%dma_start3A_393, %dma_start3A_394] : memref<4x128xi32, #tpu.memory_space<vmem>> -> memref<1x128xi32, #tpu.memory_space<vmem>>
        %dma_start3A_396 = tpu.memref_squeeze %dma_start3A_395 : memref<1x128xi32, #tpu.memory_space<vmem>> -> memref<128xi32, #tpu.memory_space<vmem>>
        %dma_start3A_397 = arith.constant 0 : i32
        %dma_start3A_398 = tpu.memref_slice %arg4[%add3A, %add3A_392, %dma_start3A_397] : memref<32x80x128xi32, #tpu.memory_space<hbm>> -> memref<1x1x128xi32, #tpu.memory_space<hbm>>
        %dma_start3A_399 = tpu.memref_squeeze %dma_start3A_398 : memref<1x1x128xi32, #tpu.memory_space<hbm>> -> memref<128xi32, #tpu.memory_space<hbm>>
        %dma_start3A_400 = arith.constant 0 : i32
        %dma_start3A_401 = tpu.memref_slice %arg7[%dma_start3A_393, %dma_start3A_400] : memref<4x128xi32, #tpu.memory_space<vmem>> -> memref<1x128xi32, #tpu.memory_space<vmem>>
        %dma_start3A_402 = tpu.memref_squeeze %dma_start3A_401 : memref<1x128xi32, #tpu.memory_space<vmem>> -> memref<128xi32, #tpu.memory_space<vmem>>
        %dma_start3A_403 = arith.constant 0 : i32
        %dma_start3A_404 = tpu.memref_slice %arg4[%add3A, %add3A_392, %dma_start3A_403] : memref<32x80x128xi32, #tpu.memory_space<hbm>> -> memref<1x1x128xi32, #tpu.memory_space<hbm>>
        %dma_start3A_405 = tpu.memref_squeeze %dma_start3A_404 : memref<1x1x128xi32, #tpu.memory_space<hbm>> -> memref<128xi32, #tpu.memory_space<hbm>>
        tpu.enqueue_dma source(%dma_start3A_405 : memref<128xi32, #tpu.memory_space<hbm>>) target(%dma_start3A_402 : memref<128xi32, #tpu.memory_space<vmem>>) target_semaphore(%arg18 : memref<!tpu.dma_semaphore, #tpu.memory_space<semaphore_mem>>)
      } else {
      }
      %dma_wait3A_246 = arith.constant 0 : i32
      %dma_wait3A_247 = arith.constant 2 : i32
      %dma_wait3A_248 = arith.constant 0 : i32
      %dma_wait3A_249 = tpu.memref_slice %arg6[%dma_wait3A_247, %dma_wait3A_248] : memref<4x128xi32, #tpu.memory_space<vmem>> -> memref<1x128xi32, #tpu.memory_space<vmem>>
      %dma_wait3A_250 = tpu.memref_squeeze %dma_wait3A_249 : memref<1x128xi32, #tpu.memory_space<vmem>> -> memref<128xi32, #tpu.memory_space<vmem>>
      %dma_wait3A_251 = arith.constant 0 : i32
      %dma_wait3A_252 = tpu.memref_slice %arg3[%add3A, %dma_wait3A_246, %dma_wait3A_251] : memref<32x80x128xi32, #tpu.memory_space<hbm>> -> memref<1x1x128xi32, #tpu.memory_space<hbm>>
      %dma_wait3A_253 = tpu.memref_squeeze %dma_wait3A_252 : memref<1x1x128xi32, #tpu.memory_space<hbm>> -> memref<128xi32, #tpu.memory_space<hbm>>
      %dma_wait3A_254 = arith.constant 0 : i32
      %dma_wait3A_255 = tpu.memref_slice %arg6[%dma_wait3A_247, %dma_wait3A_254] : memref<4x128xi32, #tpu.memory_space<vmem>> -> memref<1x128xi32, #tpu.memory_space<vmem>>
      %dma_wait3A_256 = tpu.memref_squeeze %dma_wait3A_255 : memref<1x128xi32, #tpu.memory_space<vmem>> -> memref<128xi32, #tpu.memory_space<vmem>>
      %dma_wait3A_257 = arith.constant 0 : i32
      %dma_wait3A_258 = tpu.memref_slice %arg3[%add3A, %dma_wait3A_246, %dma_wait3A_257] : memref<32x80x128xi32, #tpu.memory_space<hbm>> -> memref<1x1x128xi32, #tpu.memory_space<hbm>>
      %dma_wait3A_259 = tpu.memref_squeeze %dma_wait3A_258 : memref<1x1x128xi32, #tpu.memory_space<hbm>> -> memref<128xi32, #tpu.memory_space<hbm>>
      tpu.wait_dma2 semaphore(%arg15 : memref<!tpu.dma_semaphore, #tpu.memory_space<semaphore_mem>>) src(%dma_wait3A_259 : memref<128xi32, #tpu.memory_space<hbm>>) dst(%dma_wait3A_256 : memref<128xi32, #tpu.memory_space<vmem>>)
      %dma_start3A_260 = arith.constant 2 : i32
      %dma_start3A_261 = arith.constant 0 : i32
      %dma_start3A_262 = tpu.memref_slice %arg6[%dma_start3A_260, %dma_start3A_261] : memref<4x128xi32, #tpu.memory_space<vmem>> -> memref<1x128xi32, #tpu.memory_space<vmem>>
      %dma_start3A_263 = tpu.memref_squeeze %dma_start3A_262 : memref<1x128xi32, #tpu.memory_space<vmem>> -> memref<128xi32, #tpu.memory_space<vmem>>
      %dma_start3A_264 = arith.constant 0 : i32
      %dma_start3A_265 = arith.constant 0 : i32
      %dma_start3A_266 = tpu.memref_slice %arg2[%dma_start3A_264, %dma_start3A_265] : memref<10240x128xf32, #tpu.memory_space<hbm>> -> memref<10240x128xf32, #tpu.memory_space<hbm>>
      tpu.enqueue_indirect_dma source(%dma_start3A_266 : memref<10240x128xf32, #tpu.memory_space<hbm>>) target(%arg8 : memref<128x128xf32, #tpu.memory_space<vmem>>) offsets(%dma_start3A_263 : memref<128xi32, #tpu.memory_space<vmem>>) semaphore(%arg11 : memref<!tpu.dma_semaphore, #tpu.memory_space<semaphore_mem>>)
      %dma_wait3A_267 = arith.constant 0 : i32
      %dma_wait3A_268 = arith.constant 3 : i32
      %dma_wait3A_269 = arith.constant 0 : i32
      %dma_wait3A_270 = tpu.memref_slice %arg6[%dma_wait3A_268, %dma_wait3A_269] : memref<4x128xi32, #tpu.memory_space<vmem>> -> memref<1x128xi32, #tpu.memory_space<vmem>>
      %dma_wait3A_271 = tpu.memref_squeeze %dma_wait3A_270 : memref<1x128xi32, #tpu.memory_space<vmem>> -> memref<128xi32, #tpu.memory_space<vmem>>
      %dma_wait3A_272 = arith.constant 0 : i32
      %dma_wait3A_273 = tpu.memref_slice %arg3[%add3A, %dma_wait3A_267, %dma_wait3A_272] : memref<32x80x128xi32, #tpu.memory_space<hbm>> -> memref<1x1x128xi32, #tpu.memory_space<hbm>>
      %dma_wait3A_274 = tpu.memref_squeeze %dma_wait3A_273 : memref<1x1x128xi32, #tpu.memory_space<hbm>> -> memref<128xi32, #tpu.memory_space<hbm>>
      %dma_wait3A_275 = arith.constant 0 : i32
      %dma_wait3A_276 = tpu.memref_slice %arg6[%dma_wait3A_268, %dma_wait3A_275] : memref<4x128xi32, #tpu.memory_space<vmem>> -> memref<1x128xi32, #tpu.memory_space<vmem>>
      %dma_wait3A_277 = tpu.memref_squeeze %dma_wait3A_276 : memref<1x128xi32, #tpu.memory_space<vmem>> -> memref<128xi32, #tpu.memory_space<vmem>>
      %dma_wait3A_278 = arith.constant 0 : i32
      %dma_wait3A_279 = tpu.memref_slice %arg3[%add3A, %dma_wait3A_267, %dma_wait3A_278] : memref<32x80x128xi32, #tpu.memory_space<hbm>> -> memref<1x1x128xi32, #tpu.memory_space<hbm>>
      %dma_wait3A_280 = tpu.memref_squeeze %dma_wait3A_279 : memref<1x1x128xi32, #tpu.memory_space<hbm>> -> memref<128xi32, #tpu.memory_space<hbm>>
      tpu.wait_dma2 semaphore(%arg16 : memref<!tpu.dma_semaphore, #tpu.memory_space<semaphore_mem>>) src(%dma_wait3A_280 : memref<128xi32, #tpu.memory_space<hbm>>) dst(%dma_wait3A_277 : memref<128xi32, #tpu.memory_space<vmem>>)
      %dma_start3A_281 = arith.constant 3 : i32
      %dma_start3A_282 = arith.constant 0 : i32
      %dma_start3A_283 = tpu.memref_slice %arg6[%dma_start3A_281, %dma_start3A_282] : memref<4x128xi32, #tpu.memory_space<vmem>> -> memref<1x128xi32, #tpu.memory_space<vmem>>
      %dma_start3A_284 = tpu.memref_squeeze %dma_start3A_283 : memref<1x128xi32, #tpu.memory_space<vmem>> -> memref<128xi32, #tpu.memory_space<vmem>>
      %dma_start3A_285 = arith.constant 0 : i32
      %dma_start3A_286 = arith.constant 0 : i32
      %dma_start3A_287 = tpu.memref_slice %arg2[%dma_start3A_285, %dma_start3A_286] : memref<10240x128xf32, #tpu.memory_space<hbm>> -> memref<10240x128xf32, #tpu.memory_space<hbm>>
      tpu.enqueue_indirect_dma source(%dma_start3A_287 : memref<10240x128xf32, #tpu.memory_space<hbm>>) target(%arg9 : memref<128x128xf32, #tpu.memory_space<vmem>>) offsets(%dma_start3A_284 : memref<128xi32, #tpu.memory_space<vmem>>) semaphore(%arg12 : memref<!tpu.dma_semaphore, #tpu.memory_space<semaphore_mem>>)
      %dma_wait3A_288 = arith.constant 2 : i32
      %dma_wait3A_289 = arith.constant 0 : i32
      %dma_wait3A_290 = tpu.memref_slice %arg6[%dma_wait3A_288, %dma_wait3A_289] : memref<4x128xi32, #tpu.memory_space<vmem>> -> memref<1x128xi32, #tpu.memory_space<vmem>>
      %dma_wait3A_291 = tpu.memref_squeeze %dma_wait3A_290 : memref<1x128xi32, #tpu.memory_space<vmem>> -> memref<128xi32, #tpu.memory_space<vmem>>
      %dma_wait3A_292 = arith.constant 0 : i32
      %dma_wait3A_293 = arith.constant 0 : i32
      %dma_wait3A_294 = tpu.memref_slice %arg2[%dma_wait3A_292, %dma_wait3A_293] : memref<10240x128xf32, #tpu.memory_space<hbm>> -> memref<10240x128xf32, #tpu.memory_space<hbm>>
      tpu.wait_indirect_dma semaphore(%arg11 : memref<!tpu.dma_semaphore, #tpu.memory_space<semaphore_mem>>) src(%dma_wait3A_294 : memref<10240x128xf32, #tpu.memory_space<hbm>>) dst(%arg8 : memref<128x128xf32, #tpu.memory_space<vmem>>)
      %dma_wait3A_295 = arith.constant 3 : i32
      %dma_wait3A_296 = arith.constant 0 : i32
      %dma_wait3A_297 = tpu.memref_slice %arg6[%dma_wait3A_295, %dma_wait3A_296] : memref<4x128xi32, #tpu.memory_space<vmem>> -> memref<1x128xi32, #tpu.memory_space<vmem>>
      %dma_wait3A_298 = tpu.memref_squeeze %dma_wait3A_297 : memref<1x128xi32, #tpu.memory_space<vmem>> -> memref<128xi32, #tpu.memory_space<vmem>>
      %dma_wait3A_299 = arith.constant 0 : i32
      %dma_wait3A_300 = arith.constant 0 : i32
      %dma_wait3A_301 = tpu.memref_slice %arg2[%dma_wait3A_299, %dma_wait3A_300] : memref<10240x128xf32, #tpu.memory_space<hbm>> -> memref<10240x128xf32, #tpu.memory_space<hbm>>
      tpu.wait_indirect_dma semaphore(%arg12 : memref<!tpu.dma_semaphore, #tpu.memory_space<semaphore_mem>>) src(%dma_wait3A_301 : memref<10240x128xf32, #tpu.memory_space<hbm>>) dst(%arg9 : memref<128x128xf32, #tpu.memory_space<vmem>>)
      %add3A_302 = arith.constant 4 : i32
      %add3A_303 = arith.addi %add3A_123, %add3A_302 : i32
      %lt3A_304 = arith.constant 80 : i32
      %lt3A_305 = arith.cmpi slt, %add3A_303, %lt3A_304 : i32
      %convert_element_type3A_306 = arith.extui %lt3A_305 : i1 to i32
      %cond3A_307 = arith.constant 0 : i32
      %cond3A_308 = arith.cmpi ne, %convert_element_type3A_306, %cond3A_307 : i32
      scf.if %cond3A_308 {
        %add3A_372 = arith.constant 4 : i32
        %add3A_373 = arith.addi %add3A_123, %add3A_372 : i32
        %add3A_374 = arith.constant 2 : i32
        %add3A_375 = arith.addi %add3A_373, %add3A_374 : i32
        %dma_start3A_376 = arith.constant 2 : i32
        %dma_start3A_377 = arith.constant 0 : i32
        %dma_start3A_378 = tpu.memref_slice %arg6[%dma_start3A_376, %dma_start3A_377] : memref<4x128xi32, #tpu.memory_space<vmem>> -> memref<1x128xi32, #tpu.memory_space<vmem>>
        %dma_start3A_379 = tpu.memref_squeeze %dma_start3A_378 : memref<1x128xi32, #tpu.memory_space<vmem>> -> memref<128xi32, #tpu.memory_space<vmem>>
        %dma_start3A_380 = arith.constant 0 : i32
        %dma_start3A_381 = tpu.memref_slice %arg3[%add3A, %add3A_375, %dma_start3A_380] : memref<32x80x128xi32, #tpu.memory_space<hbm>> -> memref<1x1x128xi32, #tpu.memory_space<hbm>>
        %dma_start3A_382 = tpu.memref_squeeze %dma_start3A_381 : memref<1x1x128xi32, #tpu.memory_space<hbm>> -> memref<128xi32, #tpu.memory_space<hbm>>
        %dma_start3A_383 = arith.constant 0 : i32
        %dma_start3A_384 = tpu.memref_slice %arg6[%dma_start3A_376, %dma_start3A_383] : memref<4x128xi32, #tpu.memory_space<vmem>> -> memref<1x128xi32, #tpu.memory_space<vmem>>
        %dma_start3A_385 = tpu.memref_squeeze %dma_start3A_384 : memref<1x128xi32, #tpu.memory_space<vmem>> -> memref<128xi32, #tpu.memory_space<vmem>>
        %dma_start3A_386 = arith.constant 0 : i32
        %dma_start3A_387 = tpu.memref_slice %arg3[%add3A, %add3A_375, %dma_start3A_386] : memref<32x80x128xi32, #tpu.memory_space<hbm>> -> memref<1x1x128xi32, #tpu.memory_space<hbm>>
        %dma_start3A_388 = tpu.memref_squeeze %dma_start3A_387 : memref<1x1x128xi32, #tpu.memory_space<hbm>> -> memref<128xi32, #tpu.memory_space<hbm>>
        tpu.enqueue_dma source(%dma_start3A_388 : memref<128xi32, #tpu.memory_space<hbm>>) target(%dma_start3A_385 : memref<128xi32, #tpu.memory_space<vmem>>) target_semaphore(%arg15 : memref<!tpu.dma_semaphore, #tpu.memory_space<semaphore_mem>>)
        %add3A_389 = arith.constant 4 : i32
        %add3A_390 = arith.addi %add3A_123, %add3A_389 : i32
        %add3A_391 = arith.constant 3 : i32
        %add3A_392 = arith.addi %add3A_390, %add3A_391 : i32
        %dma_start3A_393 = arith.constant 3 : i32
        %dma_start3A_394 = arith.constant 0 : i32
        %dma_start3A_395 = tpu.memref_slice %arg6[%dma_start3A_393, %dma_start3A_394] : memref<4x128xi32, #tpu.memory_space<vmem>> -> memref<1x128xi32, #tpu.memory_space<vmem>>
        %dma_start3A_396 = tpu.memref_squeeze %dma_start3A_395 : memref<1x128xi32, #tpu.memory_space<vmem>> -> memref<128xi32, #tpu.memory_space<vmem>>
        %dma_start3A_397 = arith.constant 0 : i32
        %dma_start3A_398 = tpu.memref_slice %arg3[%add3A, %add3A_392, %dma_start3A_397] : memref<32x80x128xi32, #tpu.memory_space<hbm>> -> memref<1x1x128xi32, #tpu.memory_space<hbm>>
        %dma_start3A_399 = tpu.memref_squeeze %dma_start3A_398 : memref<1x1x128xi32, #tpu.memory_space<hbm>> -> memref<128xi32, #tpu.memory_space<hbm>>
        %dma_start3A_400 = arith.constant 0 : i32
        %dma_start3A_401 = tpu.memref_slice %arg6[%dma_start3A_393, %dma_start3A_400] : memref<4x128xi32, #tpu.memory_space<vmem>> -> memref<1x128xi32, #tpu.memory_space<vmem>>
        %dma_start3A_402 = tpu.memref_squeeze %dma_start3A_401 : memref<1x128xi32, #tpu.memory_space<vmem>> -> memref<128xi32, #tpu.memory_space<vmem>>
        %dma_start3A_403 = arith.constant 0 : i32
        %dma_start3A_404 = tpu.memref_slice %arg3[%add3A, %add3A_392, %dma_start3A_403] : memref<32x80x128xi32, #tpu.memory_space<hbm>> -> memref<1x1x128xi32, #tpu.memory_space<hbm>>
        %dma_start3A_405 = tpu.memref_squeeze %dma_start3A_404 : memref<1x1x128xi32, #tpu.memory_space<hbm>> -> memref<128xi32, #tpu.memory_space<hbm>>
        tpu.enqueue_dma source(%dma_start3A_405 : memref<128xi32, #tpu.memory_space<hbm>>) target(%dma_start3A_402 : memref<128xi32, #tpu.memory_space<vmem>>) target_semaphore(%arg16 : memref<!tpu.dma_semaphore, #tpu.memory_space<semaphore_mem>>)
      } else {
      }
      %dma_wait3A_309 = arith.constant 0 : i32
      %dma_wait3A_310 = arith.constant 2 : i32
      %dma_wait3A_311 = arith.constant 0 : i32
      %dma_wait3A_312 = tpu.memref_slice %arg7[%dma_wait3A_310, %dma_wait3A_311] : memref<4x128xi32, #tpu.memory_space<vmem>> -> memref<1x128xi32, #tpu.memory_space<vmem>>
      %dma_wait3A_313 = tpu.memref_squeeze %dma_wait3A_312 : memref<1x128xi32, #tpu.memory_space<vmem>> -> memref<128xi32, #tpu.memory_space<vmem>>
      %dma_wait3A_314 = arith.constant 0 : i32
      %dma_wait3A_315 = tpu.memref_slice %arg4[%add3A, %dma_wait3A_309, %dma_wait3A_314] : memref<32x80x128xi32, #tpu.memory_space<hbm>> -> memref<1x1x128xi32, #tpu.memory_space<hbm>>
      %dma_wait3A_316 = tpu.memref_squeeze %dma_wait3A_315 : memref<1x1x128xi32, #tpu.memory_space<hbm>> -> memref<128xi32, #tpu.memory_space<hbm>>
      %dma_wait3A_317 = arith.constant 0 : i32
      %dma_wait3A_318 = tpu.memref_slice %arg7[%dma_wait3A_310, %dma_wait3A_317] : memref<4x128xi32, #tpu.memory_space<vmem>> -> memref<1x128xi32, #tpu.memory_space<vmem>>
      %dma_wait3A_319 = tpu.memref_squeeze %dma_wait3A_318 : memref<1x128xi32, #tpu.memory_space<vmem>> -> memref<128xi32, #tpu.memory_space<vmem>>
      %dma_wait3A_320 = arith.constant 0 : i32
      %dma_wait3A_321 = tpu.memref_slice %arg4[%add3A, %dma_wait3A_309, %dma_wait3A_320] : memref<32x80x128xi32, #tpu.memory_space<hbm>> -> memref<1x1x128xi32, #tpu.memory_space<hbm>>
      %dma_wait3A_322 = tpu.memref_squeeze %dma_wait3A_321 : memref<1x1x128xi32, #tpu.memory_space<hbm>> -> memref<128xi32, #tpu.memory_space<hbm>>
      tpu.wait_dma2 semaphore(%arg19 : memref<!tpu.dma_semaphore, #tpu.memory_space<semaphore_mem>>) src(%dma_wait3A_322 : memref<128xi32, #tpu.memory_space<hbm>>) dst(%dma_wait3A_319 : memref<128xi32, #tpu.memory_space<vmem>>)
      %dma_start3A_323 = arith.constant 2 : i32
      %dma_start3A_324 = arith.constant 0 : i32
      %dma_start3A_325 = tpu.memref_slice %arg7[%dma_start3A_323, %dma_start3A_324] : memref<4x128xi32, #tpu.memory_space<vmem>> -> memref<1x128xi32, #tpu.memory_space<vmem>>
      %dma_start3A_326 = tpu.memref_squeeze %dma_start3A_325 : memref<1x128xi32, #tpu.memory_space<vmem>> -> memref<128xi32, #tpu.memory_space<vmem>>
      %dma_start3A_327 = arith.constant 0 : i32
      %dma_start3A_328 = arith.constant 0 : i32
      %dma_start3A_329 = tpu.memref_slice %arg10[%dma_start3A_327, %dma_start3A_328] : memref<10240x128xf32, #tpu.memory_space<vmem_shared>> -> memref<10240x128xf32, #tpu.memory_space<vmem_shared>>
      tpu.enqueue_indirect_dma source(%arg8 : memref<128x128xf32, #tpu.memory_space<vmem>>) target(%dma_start3A_329 : memref<10240x128xf32, #tpu.memory_space<vmem_shared>>) offsets(%dma_start3A_326 : memref<128xi32, #tpu.memory_space<vmem>>) semaphore(%arg11 : memref<!tpu.dma_semaphore, #tpu.memory_space<semaphore_mem>>) {add = true}
      %dma_wait3A_330 = arith.constant 0 : i32
      %dma_wait3A_331 = arith.constant 3 : i32
      %dma_wait3A_332 = arith.constant 0 : i32
      %dma_wait3A_333 = tpu.memref_slice %arg7[%dma_wait3A_331, %dma_wait3A_332] : memref<4x128xi32, #tpu.memory_space<vmem>> -> memref<1x128xi32, #tpu.memory_space<vmem>>
      %dma_wait3A_334 = tpu.memref_squeeze %dma_wait3A_333 : memref<1x128xi32, #tpu.memory_space<vmem>> -> memref<128xi32, #tpu.memory_space<vmem>>
      %dma_wait3A_335 = arith.constant 0 : i32
      %dma_wait3A_336 = tpu.memref_slice %arg4[%add3A, %dma_wait3A_330, %dma_wait3A_335] : memref<32x80x128xi32, #tpu.memory_space<hbm>> -> memref<1x1x128xi32, #tpu.memory_space<hbm>>
      %dma_wait3A_337 = tpu.memref_squeeze %dma_wait3A_336 : memref<1x1x128xi32, #tpu.memory_space<hbm>> -> memref<128xi32, #tpu.memory_space<hbm>>
      %dma_wait3A_338 = arith.constant 0 : i32
      %dma_wait3A_339 = tpu.memref_slice %arg7[%dma_wait3A_331, %dma_wait3A_338] : memref<4x128xi32, #tpu.memory_space<vmem>> -> memref<1x128xi32, #tpu.memory_space<vmem>>
      %dma_wait3A_340 = tpu.memref_squeeze %dma_wait3A_339 : memref<1x128xi32, #tpu.memory_space<vmem>> -> memref<128xi32, #tpu.memory_space<vmem>>
      %dma_wait3A_341 = arith.constant 0 : i32
      %dma_wait3A_342 = tpu.memref_slice %arg4[%add3A, %dma_wait3A_330, %dma_wait3A_341] : memref<32x80x128xi32, #tpu.memory_space<hbm>> -> memref<1x1x128xi32, #tpu.memory_space<hbm>>
      %dma_wait3A_343 = tpu.memref_squeeze %dma_wait3A_342 : memref<1x1x128xi32, #tpu.memory_space<hbm>> -> memref<128xi32, #tpu.memory_space<hbm>>
      tpu.wait_dma2 semaphore(%arg20 : memref<!tpu.dma_semaphore, #tpu.memory_space<semaphore_mem>>) src(%dma_wait3A_343 : memref<128xi32, #tpu.memory_space<hbm>>) dst(%dma_wait3A_340 : memref<128xi32, #tpu.memory_space<vmem>>)
      %dma_start3A_344 = arith.constant 3 : i32
      %dma_start3A_345 = arith.constant 0 : i32
      %dma_start3A_346 = tpu.memref_slice %arg7[%dma_start3A_344, %dma_start3A_345] : memref<4x128xi32, #tpu.memory_space<vmem>> -> memref<1x128xi32, #tpu.memory_space<vmem>>
      %dma_start3A_347 = tpu.memref_squeeze %dma_start3A_346 : memref<1x128xi32, #tpu.memory_space<vmem>> -> memref<128xi32, #tpu.memory_space<vmem>>
      %dma_start3A_348 = arith.constant 0 : i32
      %dma_start3A_349 = arith.constant 0 : i32
      %dma_start3A_350 = tpu.memref_slice %arg10[%dma_start3A_348, %dma_start3A_349] : memref<10240x128xf32, #tpu.memory_space<vmem_shared>> -> memref<10240x128xf32, #tpu.memory_space<vmem_shared>>
      tpu.enqueue_indirect_dma source(%arg9 : memref<128x128xf32, #tpu.memory_space<vmem>>) target(%dma_start3A_350 : memref<10240x128xf32, #tpu.memory_space<vmem_shared>>) offsets(%dma_start3A_347 : memref<128xi32, #tpu.memory_space<vmem>>) semaphore(%arg12 : memref<!tpu.dma_semaphore, #tpu.memory_space<semaphore_mem>>) {add = true}
      %dma_wait3A_351 = arith.constant 2 : i32
      %dma_wait3A_352 = arith.constant 0 : i32
      %dma_wait3A_353 = tpu.memref_slice %arg7[%dma_wait3A_351, %dma_wait3A_352] : memref<4x128xi32, #tpu.memory_space<vmem>> -> memref<1x128xi32, #tpu.memory_space<vmem>>
      %dma_wait3A_354 = tpu.memref_squeeze %dma_wait3A_353 : memref<1x128xi32, #tpu.memory_space<vmem>> -> memref<128xi32, #tpu.memory_space<vmem>>
      %dma_wait3A_355 = arith.constant 0 : i32
      %dma_wait3A_356 = arith.constant 0 : i32
      %dma_wait3A_357 = tpu.memref_slice %arg10[%dma_wait3A_355, %dma_wait3A_356] : memref<10240x128xf32, #tpu.memory_space<vmem_shared>> -> memref<10240x128xf32, #tpu.memory_space<vmem_shared>>
      tpu.wait_indirect_dma semaphore(%arg11 : memref<!tpu.dma_semaphore, #tpu.memory_space<semaphore_mem>>) src(%arg8 : memref<128x128xf32, #tpu.memory_space<vmem>>) dst(%dma_wait3A_357 : memref<10240x128xf32, #tpu.memory_space<vmem_shared>>)
      %dma_wait3A_358 = arith.constant 3 : i32
      %dma_wait3A_359 = arith.constant 0 : i32
      %dma_wait3A_360 = tpu.memref_slice %arg7[%dma_wait3A_358, %dma_wait3A_359] : memref<4x128xi32, #tpu.memory_space<vmem>> -> memref<1x128xi32, #tpu.memory_space<vmem>>
      %dma_wait3A_361 = tpu.memref_squeeze %dma_wait3A_360 : memref<1x128xi32, #tpu.memory_space<vmem>> -> memref<128xi32, #tpu.memory_space<vmem>>
      %dma_wait3A_362 = arith.constant 0 : i32
      %dma_wait3A_363 = arith.constant 0 : i32
      %dma_wait3A_364 = tpu.memref_slice %arg10[%dma_wait3A_362, %dma_wait3A_363] : memref<10240x128xf32, #tpu.memory_space<vmem_shared>> -> memref<10240x128xf32, #tpu.memory_space<vmem_shared>>
      tpu.wait_indirect_dma semaphore(%arg12 : memref<!tpu.dma_semaphore, #tpu.memory_space<semaphore_mem>>) src(%arg9 : memref<128x128xf32, #tpu.memory_space<vmem>>) dst(%dma_wait3A_364 : memref<10240x128xf32, #tpu.memory_space<vmem_shared>>)
      %add3A_365 = arith.constant 4 : i32
      %add3A_366 = arith.addi %add3A_123, %add3A_365 : i32
      %lt3A_367 = arith.constant 80 : i32
      %lt3A_368 = arith.cmpi slt, %add3A_366, %lt3A_367 : i32
      %convert_element_type3A_369 = arith.extui %lt3A_368 : i1 to i32
      %cond3A_370 = arith.constant 0 : i32
      %cond3A_371 = arith.cmpi ne, %convert_element_type3A_369, %cond3A_370 : i32
      scf.if %cond3A_371 {
        %add3A_372 = arith.constant 4 : i32
        %add3A_373 = arith.addi %add3A_123, %add3A_372 : i32
        %add3A_374 = arith.constant 2 : i32
        %add3A_375 = arith.addi %add3A_373, %add3A_374 : i32
        %dma_start3A_376 = arith.constant 2 : i32
        %dma_start3A_377 = arith.constant 0 : i32
        %dma_start3A_378 = tpu.memref_slice %arg7[%dma_start3A_376, %dma_start3A_377] : memref<4x128xi32, #tpu.memory_space<vmem>> -> memref<1x128xi32, #tpu.memory_space<vmem>>
        %dma_start3A_379 = tpu.memref_squeeze %dma_start3A_378 : memref<1x128xi32, #tpu.memory_space<vmem>> -> memref<128xi32, #tpu.memory_space<vmem>>
        %dma_start3A_380 = arith.constant 0 : i32
        %dma_start3A_381 = tpu.memref_slice %arg4[%add3A, %add3A_375, %dma_start3A_380] : memref<32x80x128xi32, #tpu.memory_space<hbm>> -> memref<1x1x128xi32, #tpu.memory_space<hbm>>
        %dma_start3A_382 = tpu.memref_squeeze %dma_start3A_381 : memref<1x1x128xi32, #tpu.memory_space<hbm>> -> memref<128xi32, #tpu.memory_space<hbm>>
        %dma_start3A_383 = arith.constant 0 : i32
        %dma_start3A_384 = tpu.memref_slice %arg7[%dma_start3A_376, %dma_start3A_383] : memref<4x128xi32, #tpu.memory_space<vmem>> -> memref<1x128xi32, #tpu.memory_space<vmem>>
        %dma_start3A_385 = tpu.memref_squeeze %dma_start3A_384 : memref<1x128xi32, #tpu.memory_space<vmem>> -> memref<128xi32, #tpu.memory_space<vmem>>
        %dma_start3A_386 = arith.constant 0 : i32
        %dma_start3A_387 = tpu.memref_slice %arg4[%add3A, %add3A_375, %dma_start3A_386] : memref<32x80x128xi32, #tpu.memory_space<hbm>> -> memref<1x1x128xi32, #tpu.memory_space<hbm>>
        %dma_start3A_388 = tpu.memref_squeeze %dma_start3A_387 : memref<1x1x128xi32, #tpu.memory_space<hbm>> -> memref<128xi32, #tpu.memory_space<hbm>>
        tpu.enqueue_dma source(%dma_start3A_388 : memref<128xi32, #tpu.memory_space<hbm>>) target(%dma_start3A_385 : memref<128xi32, #tpu.memory_space<vmem>>) target_semaphore(%arg19 : memref<!tpu.dma_semaphore, #tpu.memory_space<semaphore_mem>>)
        %add3A_389 = arith.constant 4 : i32
        %add3A_390 = arith.addi %add3A_123, %add3A_389 : i32
        %add3A_391 = arith.constant 3 : i32
        %add3A_392 = arith.addi %add3A_390, %add3A_391 : i32
        %dma_start3A_393 = arith.constant 3 : i32
        %dma_start3A_394 = arith.constant 0 : i32
        %dma_start3A_395 = tpu.memref_slice %arg7[%dma_start3A_393, %dma_start3A_394] : memref<4x128xi32, #tpu.memory_space<vmem>> -> memref<1x128xi32, #tpu.memory_space<vmem>>
        %dma_start3A_396 = tpu.memref_squeeze %dma_start3A_395 : memref<1x128xi32, #tpu.memory_space<vmem>> -> memref<128xi32, #tpu.memory_space<vmem>>
        %dma_start3A_397 = arith.constant 0 : i32
        %dma_start3A_398 = tpu.memref_slice %arg4[%add3A, %add3A_392, %dma_start3A_397] : memref<32x80x128xi32, #tpu.memory_space<hbm>> -> memref<1x1x128xi32, #tpu.memory_space<hbm>>
        %dma_start3A_399 = tpu.memref_squeeze %dma_start3A_398 : memref<1x1x128xi32, #tpu.memory_space<hbm>> -> memref<128xi32, #tpu.memory_space<hbm>>
        %dma_start3A_400 = arith.constant 0 : i32
        %dma_start3A_401 = tpu.memref_slice %arg7[%dma_start3A_393, %dma_start3A_400] : memref<4x128xi32, #tpu.memory_space<vmem>> -> memref<1x128xi32, #tpu.memory_space<vmem>>
        %dma_start3A_402 = tpu.memref_squeeze %dma_start3A_401 : memref<1x128xi32, #tpu.memory_space<vmem>> -> memref<128xi32, #tpu.memory_space<vmem>>
        %dma_start3A_403 = arith.constant 0 : i32
        %dma_start3A_404 = tpu.memref_slice %arg4[%add3A, %add3A_392, %dma_start3A_403] : memref<32x80x128xi32, #tpu.memory_space<hbm>> -> memref<1x1x128xi32, #tpu.memory_space<hbm>>
        %dma_start3A_405 = tpu.memref_squeeze %dma_start3A_404 : memref<1x1x128xi32, #tpu.memory_space<hbm>> -> memref<128xi32, #tpu.memory_space<hbm>>
        tpu.enqueue_dma source(%dma_start3A_405 : memref<128xi32, #tpu.memory_space<hbm>>) target(%dma_start3A_402 : memref<128xi32, #tpu.memory_space<vmem>>) target_semaphore(%arg20 : memref<!tpu.dma_semaphore, #tpu.memory_space<semaphore_mem>>)
      } else {
      }
    }
    %scan3A_117 = arith.constant 20 : i32
    %barrier3A_118 = arith.constant 0 : index
    tpu.barrier barrier_id(%barrier3A_118)
    "tpu.region"() ({
      %run_scoped3A = tpu.sem_alloc : memref<!tpu.dma_semaphore, #tpu.memory_space<semaphore_mem>>
      %dma_start3A_119 = arith.constant 0 : i32
      %dma_start3A_120 = tpu.memref_slice %arg5[%arg0, %mul3A_113, %dma_start3A_119] : memref<2x10240x128xf32, #tpu.memory_space<hbm>> -> memref<1x640x128xf32, #tpu.memory_space<hbm>>
      %dma_start3A_121 = tpu.memref_squeeze %dma_start3A_120 : memref<1x640x128xf32, #tpu.memory_space<hbm>> -> memref<640x128xf32, #tpu.memory_space<hbm>>
      %dma_start3A_122 = arith.constant 0 : i32
      %dma_start3A_123 = tpu.memref_slice %arg10[%mul3A_113, %dma_start3A_122] : memref<10240x128xf32, #tpu.memory_space<vmem_shared>> -> memref<640x128xf32, #tpu.memory_space<vmem_shared>>
      tpu.enqueue_dma source(%dma_start3A_123 : memref<640x128xf32, #tpu.memory_space<vmem_shared>>) target(%dma_start3A_121 : memref<640x128xf32, #tpu.memory_space<hbm>>) target_semaphore(%run_scoped3A : memref<!tpu.dma_semaphore, #tpu.memory_space<semaphore_mem>>)
      %dma_wait3A = arith.constant 0 : i32
      %dma_wait3A_124 = tpu.memref_slice %arg5[%arg0, %mul3A_113, %dma_wait3A] : memref<2x10240x128xf32, #tpu.memory_space<hbm>> -> memref<1x640x128xf32, #tpu.memory_space<hbm>>
      %dma_wait3A_125 = tpu.memref_squeeze %dma_wait3A_124 : memref<1x640x128xf32, #tpu.memory_space<hbm>> -> memref<640x128xf32, #tpu.memory_space<hbm>>
      %dma_wait3A_126 = arith.constant 0 : i32
      %dma_wait3A_127 = tpu.memref_slice %arg10[%mul3A_113, %dma_wait3A_126] : memref<10240x128xf32, #tpu.memory_space<vmem_shared>> -> memref<640x128xf32, #tpu.memory_space<vmem_shared>>
      tpu.wait_dma2 semaphore(%run_scoped3A : memref<!tpu.dma_semaphore, #tpu.memory_space<semaphore_mem>>) src(%dma_wait3A_127 : memref<640x128xf32, #tpu.memory_space<vmem_shared>>) dst(%dma_wait3A_125 : memref<640x128xf32, #tpu.memory_space<hbm>>)
      tpu.yield
    }) : () -> ()
    return
  }
}

#map = affine_map<(d0, d1) -> (0, 0, 0)>
#map1 = affine_map<(d0, d1) -> (0, 0)>
module attributes {stable_mosaic.version = 14 : i64} {
  func.func @_sc_degree(%arg0: i32, %arg1: i32, %arg2: memref<32x80x128xi32, #tpu.memory_space<hbm>>, %arg3: memref<32x10240xf32, #tpu.memory_space<hbm>>, %arg4: memref<80x128xi32, #tpu.memory_space<vmem>>, %arg5: memref<10240xf32, #tpu.memory_space<vmem>>) attributes {dimension_semantics = [#tpu.dimension_semantics<core_parallel>, #tpu.dimension_semantics<subcore_parallel>], iteration_bounds = array<i64: 2, 16>, scalar_prefetch = 0 : i64, scratch_operands = 2 : i64, tpu.core_type = #tpu.core_type<sc_vector_subcore>, window_params = [{transform_indices = #map}, {transform_indices = #map1}]} {
    %mul3A = arith.constant 2 : i32
    %mul3A_0 = arith.muli %arg1, %mul3A : i32
    %add3A = arith.addi %mul3A_0, %arg0 : i32
    "tpu.region"() ({
      %run_scoped3A = tpu.sem_alloc : memref<!tpu.dma_semaphore, #tpu.memory_space<semaphore_mem>>
      %dma_start3A = arith.constant 0 : i32
      %dma_start3A_11 = arith.constant 0 : i32
      %dma_start3A_12 = tpu.memref_slice %arg2[%add3A, %dma_start3A, %dma_start3A_11] : memref<32x80x128xi32, #tpu.memory_space<hbm>> -> memref<1x80x128xi32, #tpu.memory_space<hbm>>
      %dma_start3A_13 = tpu.memref_squeeze %dma_start3A_12 : memref<1x80x128xi32, #tpu.memory_space<hbm>> -> memref<80x128xi32, #tpu.memory_space<hbm>>
      %dma_start3A_14 = arith.constant 0 : i32
      %dma_start3A_15 = arith.constant 0 : i32
      %dma_start3A_16 = tpu.memref_slice %arg2[%add3A, %dma_start3A_14, %dma_start3A_15] : memref<32x80x128xi32, #tpu.memory_space<hbm>> -> memref<1x80x128xi32, #tpu.memory_space<hbm>>
      %dma_start3A_17 = tpu.memref_squeeze %dma_start3A_16 : memref<1x80x128xi32, #tpu.memory_space<hbm>> -> memref<80x128xi32, #tpu.memory_space<hbm>>
      tpu.enqueue_dma source(%dma_start3A_17 : memref<80x128xi32, #tpu.memory_space<hbm>>) target(%arg4 : memref<80x128xi32, #tpu.memory_space<vmem>>) target_semaphore(%run_scoped3A : memref<!tpu.dma_semaphore, #tpu.memory_space<semaphore_mem>>)
      %dma_wait3A = arith.constant 0 : i32
      %dma_wait3A_18 = arith.constant 0 : i32
      %dma_wait3A_19 = tpu.memref_slice %arg2[%add3A, %dma_wait3A, %dma_wait3A_18] : memref<32x80x128xi32, #tpu.memory_space<hbm>> -> memref<1x80x128xi32, #tpu.memory_space<hbm>>
      %dma_wait3A_20 = tpu.memref_squeeze %dma_wait3A_19 : memref<1x80x128xi32, #tpu.memory_space<hbm>> -> memref<80x128xi32, #tpu.memory_space<hbm>>
      %dma_wait3A_21 = arith.constant 0 : i32
      %dma_wait3A_22 = arith.constant 0 : i32
      %dma_wait3A_23 = tpu.memref_slice %arg2[%add3A, %dma_wait3A_21, %dma_wait3A_22] : memref<32x80x128xi32, #tpu.memory_space<hbm>> -> memref<1x80x128xi32, #tpu.memory_space<hbm>>
      %dma_wait3A_24 = tpu.memref_squeeze %dma_wait3A_23 : memref<1x80x128xi32, #tpu.memory_space<hbm>> -> memref<80x128xi32, #tpu.memory_space<hbm>>
      tpu.wait_dma2 semaphore(%run_scoped3A : memref<!tpu.dma_semaphore, #tpu.memory_space<semaphore_mem>>) src(%dma_wait3A_24 : memref<80x128xi32, #tpu.memory_space<hbm>>) dst(%arg4 : memref<80x128xi32, #tpu.memory_space<vmem>>)
      tpu.yield
    }) : () -> ()
    %scan3A = arith.constant 0 : i32
    %scan3A_1 = arith.constant 640 : i32
    %scan3A_2 = arith.addi %scan3A, %scan3A_1 : i32
    %scan3A_3 = arith.constant 1 : i32
    scf.for %scan3A_11 = %scan3A to %scan3A_2 step %scan3A_3  : i32 {
      %mul3A_12 = arith.constant 16 : i32
      %mul3A_13 = arith.muli %scan3A_11, %mul3A_12 : i32
      %add3A_14 = arith.constant 0 : i32
      %add3A_15 = arith.addi %add3A_14, %mul3A_13 : i32
      %broadcast_in_dim3A_16 = arith.constant 0.000000e+00 : f32
      %broadcast_in_dim3A_17 = vector.broadcast %broadcast_in_dim3A_16 : f32 to vector<16xf32>
      %swap3A = arith.index_cast %add3A_15 : i32 to index
      %swap3A_18 = tpu.vector_load %arg5[%swap3A] {strides = array<i32>} : memref<10240xf32, #tpu.memory_space<vmem>>, vector<16xf32>,
      tpu.vector_store %arg5[%swap3A], %broadcast_in_dim3A_17 {strides = array<i32>} : memref<10240xf32, #tpu.memory_space<vmem>>, vector<16xf32>,
    }
    %scan3A_4 = arith.constant 640 : i32
    %broadcast_in_dim3A = arith.constant 1.000000e+00 : f32
    %broadcast_in_dim3A_5 = vector.broadcast %broadcast_in_dim3A : f32 to vector<16xf32>
    %scan3A_6 = arith.constant 0 : i32
    %scan3A_7 = arith.constant 80 : i32
    %scan3A_8 = arith.addi %scan3A_6, %scan3A_7 : i32
    %scan3A_9 = arith.constant 1 : i32
    scf.for %scan3A_11 = %scan3A_6 to %scan3A_8 step %scan3A_9  : i32 {
      %mul3A_12 = arith.constant 1 : i32
      %mul3A_13 = arith.muli %scan3A_11, %mul3A_12 : i32
      %add3A_14 = arith.constant 0 : i32
      %add3A_15 = arith.addi %add3A_14, %mul3A_13 : i32
      %get3A = arith.index_cast %add3A_15 : i32 to index
      %get3A_16 = arith.constant 0 : index
      %get3A_17 = tpu.vector_load %arg4[%get3A, %get3A_16] {strides = array<i32>} : memref<80x128xi32, #tpu.memory_space<vmem>>, vector<16xi32>,
      tpu.vector_store_idx %arg5[%get3A_17], %broadcast_in_dim3A_5 {add = true} : memref<10240xf32, #tpu.memory_space<vmem>>[vector<16xi32>], vector<16xf32>,
      %get3A_18 = arith.index_cast %add3A_15 : i32 to index
      %get3A_19 = arith.constant 16 : index
      %get3A_20 = tpu.vector_load %arg4[%get3A_18, %get3A_19] {strides = array<i32>} : memref<80x128xi32, #tpu.memory_space<vmem>>, vector<16xi32>,
      tpu.vector_store_idx %arg5[%get3A_20], %broadcast_in_dim3A_5 {add = true} : memref<10240xf32, #tpu.memory_space<vmem>>[vector<16xi32>], vector<16xf32>,
      %get3A_21 = arith.index_cast %add3A_15 : i32 to index
      %get3A_22 = arith.constant 32 : index
      %get3A_23 = tpu.vector_load %arg4[%get3A_21, %get3A_22] {strides = array<i32>} : memref<80x128xi32, #tpu.memory_space<vmem>>, vector<16xi32>,
      tpu.vector_store_idx %arg5[%get3A_23], %broadcast_in_dim3A_5 {add = true} : memref<10240xf32, #tpu.memory_space<vmem>>[vector<16xi32>], vector<16xf32>,
      %get3A_24 = arith.index_cast %add3A_15 : i32 to index
      %get3A_25 = arith.constant 48 : index
      %get3A_26 = tpu.vector_load %arg4[%get3A_24, %get3A_25] {strides = array<i32>} : memref<80x128xi32, #tpu.memory_space<vmem>>, vector<16xi32>,
      tpu.vector_store_idx %arg5[%get3A_26], %broadcast_in_dim3A_5 {add = true} : memref<10240xf32, #tpu.memory_space<vmem>>[vector<16xi32>], vector<16xf32>,
      %get3A_27 = arith.index_cast %add3A_15 : i32 to index
      %get3A_28 = arith.constant 64 : index
      %get3A_29 = tpu.vector_load %arg4[%get3A_27, %get3A_28] {strides = array<i32>} : memref<80x128xi32, #tpu.memory_space<vmem>>, vector<16xi32>,
      tpu.vector_store_idx %arg5[%get3A_29], %broadcast_in_dim3A_5 {add = true} : memref<10240xf32, #tpu.memory_space<vmem>>[vector<16xi32>], vector<16xf32>,
      %get3A_30 = arith.index_cast %add3A_15 : i32 to index
      %get3A_31 = arith.constant 80 : index
      %get3A_32 = tpu.vector_load %arg4[%get3A_30, %get3A_31] {strides = array<i32>} : memref<80x128xi32, #tpu.memory_space<vmem>>, vector<16xi32>,
      tpu.vector_store_idx %arg5[%get3A_32], %broadcast_in_dim3A_5 {add = true} : memref<10240xf32, #tpu.memory_space<vmem>>[vector<16xi32>], vector<16xf32>,
      %get3A_33 = arith.index_cast %add3A_15 : i32 to index
      %get3A_34 = arith.constant 96 : index
      %get3A_35 = tpu.vector_load %arg4[%get3A_33, %get3A_34] {strides = array<i32>} : memref<80x128xi32, #tpu.memory_space<vmem>>, vector<16xi32>,
      tpu.vector_store_idx %arg5[%get3A_35], %broadcast_in_dim3A_5 {add = true} : memref<10240xf32, #tpu.memory_space<vmem>>[vector<16xi32>], vector<16xf32>,
      %get3A_36 = arith.index_cast %add3A_15 : i32 to index
      %get3A_37 = arith.constant 112 : index
      %get3A_38 = tpu.vector_load %arg4[%get3A_36, %get3A_37] {strides = array<i32>} : memref<80x128xi32, #tpu.memory_space<vmem>>, vector<16xi32>,
      tpu.vector_store_idx %arg5[%get3A_38], %broadcast_in_dim3A_5 {add = true} : memref<10240xf32, #tpu.memory_space<vmem>>[vector<16xi32>], vector<16xf32>,
    }
    %scan3A_10 = arith.constant 80 : i32
    "tpu.region"() ({
      %run_scoped3A = tpu.sem_alloc : memref<!tpu.dma_semaphore, #tpu.memory_space<semaphore_mem>>
      %dma_start3A = arith.constant 0 : i32
      %dma_start3A_11 = tpu.memref_slice %arg3[%add3A, %dma_start3A] : memref<32x10240xf32, #tpu.memory_space<hbm>> -> memref<1x10240xf32, #tpu.memory_space<hbm>>
      %dma_start3A_12 = tpu.memref_squeeze %dma_start3A_11 : memref<1x10240xf32, #tpu.memory_space<hbm>> -> memref<10240xf32, #tpu.memory_space<hbm>>
      %dma_start3A_13 = arith.constant 0 : i32
      %dma_start3A_14 = tpu.memref_slice %arg3[%add3A, %dma_start3A_13] : memref<32x10240xf32, #tpu.memory_space<hbm>> -> memref<1x10240xf32, #tpu.memory_space<hbm>>
      %dma_start3A_15 = tpu.memref_squeeze %dma_start3A_14 : memref<1x10240xf32, #tpu.memory_space<hbm>> -> memref<10240xf32, #tpu.memory_space<hbm>>
      tpu.enqueue_dma source(%arg5 : memref<10240xf32, #tpu.memory_space<vmem>>) target(%dma_start3A_15 : memref<10240xf32, #tpu.memory_space<hbm>>) target_semaphore(%run_scoped3A : memref<!tpu.dma_semaphore, #tpu.memory_space<semaphore_mem>>)
      %dma_wait3A = arith.constant 0 : i32
      %dma_wait3A_16 = tpu.memref_slice %arg3[%add3A, %dma_wait3A] : memref<32x10240xf32, #tpu.memory_space<hbm>> -> memref<1x10240xf32, #tpu.memory_space<hbm>>
      %dma_wait3A_17 = tpu.memref_squeeze %dma_wait3A_16 : memref<1x10240xf32, #tpu.memory_space<hbm>> -> memref<10240xf32, #tpu.memory_space<hbm>>
      %dma_wait3A_18 = arith.constant 0 : i32
      %dma_wait3A_19 = tpu.memref_slice %arg3[%add3A, %dma_wait3A_18] : memref<32x10240xf32, #tpu.memory_space<hbm>> -> memref<1x10240xf32, #tpu.memory_space<hbm>>
      %dma_wait3A_20 = tpu.memref_squeeze %dma_wait3A_19 : memref<1x10240xf32, #tpu.memory_space<hbm>> -> memref<10240xf32, #tpu.memory_space<hbm>>
      tpu.wait_dma2 semaphore(%run_scoped3A : memref<!tpu.dma_semaphore, #tpu.memory_space<semaphore_mem>>) src(%arg5 : memref<10240xf32, #tpu.memory_space<vmem>>) dst(%dma_wait3A_20 : memref<10240xf32, #tpu.memory_space<hbm>>)
      tpu.yield
    }) : () -> ()
    return
  }
}

#map = affine_map<(d0, d1) -> (0)>
#map1 = affine_map<(d0, d1) -> (0, 0, 0)>
#map2 = affine_map<(d0, d1) -> (0, 0)>
module attributes {stable_mosaic.version = 14 : i64} {
  func.func @_sc_scalar_aggregate(%arg0: i32, %arg1: i32, %arg2: memref<10240xf32, #tpu.memory_space<hbm>>, %arg3: memref<32x80x128xi32, #tpu.memory_space<hbm>>, %arg4: memref<32x80x128xi32, #tpu.memory_space<hbm>>, %arg5: memref<32x10240xf32, #tpu.memory_space<hbm>>, %arg6: memref<80x128xi32, #tpu.memory_space<vmem>>, %arg7: memref<80x128xi32, #tpu.memory_space<vmem>>, %arg8: memref<10240xf32, #tpu.memory_space<vmem>>, %arg9: memref<10240xf32, #tpu.memory_space<vmem>>) attributes {dimension_semantics = [#tpu.dimension_semantics<core_parallel>, #tpu.dimension_semantics<subcore_parallel>], iteration_bounds = array<i64: 2, 16>, scalar_prefetch = 0 : i64, scratch_operands = 4 : i64, tpu.core_type = #tpu.core_type<sc_vector_subcore>, window_params = [{transform_indices = #map}, {transform_indices = #map1}, {transform_indices = #map1}, {transform_indices = #map2}]} {
    %mul3A = arith.constant 2 : i32
    %mul3A_0 = arith.muli %arg1, %mul3A : i32
    %add3A = arith.addi %mul3A_0, %arg0 : i32
    "tpu.region"() ({
      %run_scoped3A = tpu.sem_alloc : memref<!tpu.dma_semaphore, #tpu.memory_space<semaphore_mem>>
      %dma_start3A = arith.constant 0 : i32
      %dma_start3A_10 = arith.constant 0 : i32
      %dma_start3A_11 = tpu.memref_slice %arg3[%add3A, %dma_start3A, %dma_start3A_10] : memref<32x80x128xi32, #tpu.memory_space<hbm>> -> memref<1x80x128xi32, #tpu.memory_space<hbm>>
      %dma_start3A_12 = tpu.memref_squeeze %dma_start3A_11 : memref<1x80x128xi32, #tpu.memory_space<hbm>> -> memref<80x128xi32, #tpu.memory_space<hbm>>
      %dma_start3A_13 = arith.constant 0 : i32
      %dma_start3A_14 = arith.constant 0 : i32
      %dma_start3A_15 = tpu.memref_slice %arg3[%add3A, %dma_start3A_13, %dma_start3A_14] : memref<32x80x128xi32, #tpu.memory_space<hbm>> -> memref<1x80x128xi32, #tpu.memory_space<hbm>>
      %dma_start3A_16 = tpu.memref_squeeze %dma_start3A_15 : memref<1x80x128xi32, #tpu.memory_space<hbm>> -> memref<80x128xi32, #tpu.memory_space<hbm>>
      tpu.enqueue_dma source(%dma_start3A_16 : memref<80x128xi32, #tpu.memory_space<hbm>>) target(%arg6 : memref<80x128xi32, #tpu.memory_space<vmem>>) target_semaphore(%run_scoped3A : memref<!tpu.dma_semaphore, #tpu.memory_space<semaphore_mem>>)
      %dma_wait3A = arith.constant 0 : i32
      %dma_wait3A_17 = arith.constant 0 : i32
      %dma_wait3A_18 = tpu.memref_slice %arg3[%add3A, %dma_wait3A, %dma_wait3A_17] : memref<32x80x128xi32, #tpu.memory_space<hbm>> -> memref<1x80x128xi32, #tpu.memory_space<hbm>>
      %dma_wait3A_19 = tpu.memref_squeeze %dma_wait3A_18 : memref<1x80x128xi32, #tpu.memory_space<hbm>> -> memref<80x128xi32, #tpu.memory_space<hbm>>
      %dma_wait3A_20 = arith.constant 0 : i32
      %dma_wait3A_21 = arith.constant 0 : i32
      %dma_wait3A_22 = tpu.memref_slice %arg3[%add3A, %dma_wait3A_20, %dma_wait3A_21] : memref<32x80x128xi32, #tpu.memory_space<hbm>> -> memref<1x80x128xi32, #tpu.memory_space<hbm>>
      %dma_wait3A_23 = tpu.memref_squeeze %dma_wait3A_22 : memref<1x80x128xi32, #tpu.memory_space<hbm>> -> memref<80x128xi32, #tpu.memory_space<hbm>>
      tpu.wait_dma2 semaphore(%run_scoped3A : memref<!tpu.dma_semaphore, #tpu.memory_space<semaphore_mem>>) src(%dma_wait3A_23 : memref<80x128xi32, #tpu.memory_space<hbm>>) dst(%arg6 : memref<80x128xi32, #tpu.memory_space<vmem>>)
      tpu.yield
    }) : () -> ()
    "tpu.region"() ({
      %run_scoped3A = tpu.sem_alloc : memref<!tpu.dma_semaphore, #tpu.memory_space<semaphore_mem>>
      %dma_start3A = arith.constant 0 : i32
      %dma_start3A_10 = arith.constant 0 : i32
      %dma_start3A_11 = tpu.memref_slice %arg4[%add3A, %dma_start3A, %dma_start3A_10] : memref<32x80x128xi32, #tpu.memory_space<hbm>> -> memref<1x80x128xi32, #tpu.memory_space<hbm>>
      %dma_start3A_12 = tpu.memref_squeeze %dma_start3A_11 : memref<1x80x128xi32, #tpu.memory_space<hbm>> -> memref<80x128xi32, #tpu.memory_space<hbm>>
      %dma_start3A_13 = arith.constant 0 : i32
      %dma_start3A_14 = arith.constant 0 : i32
      %dma_start3A_15 = tpu.memref_slice %arg4[%add3A, %dma_start3A_13, %dma_start3A_14] : memref<32x80x128xi32, #tpu.memory_space<hbm>> -> memref<1x80x128xi32, #tpu.memory_space<hbm>>
      %dma_start3A_16 = tpu.memref_squeeze %dma_start3A_15 : memref<1x80x128xi32, #tpu.memory_space<hbm>> -> memref<80x128xi32, #tpu.memory_space<hbm>>
      tpu.enqueue_dma source(%dma_start3A_16 : memref<80x128xi32, #tpu.memory_space<hbm>>) target(%arg7 : memref<80x128xi32, #tpu.memory_space<vmem>>) target_semaphore(%run_scoped3A : memref<!tpu.dma_semaphore, #tpu.memory_space<semaphore_mem>>)
      %dma_wait3A = arith.constant 0 : i32
      %dma_wait3A_17 = arith.constant 0 : i32
      %dma_wait3A_18 = tpu.memref_slice %arg4[%add3A, %dma_wait3A, %dma_wait3A_17] : memref<32x80x128xi32, #tpu.memory_space<hbm>> -> memref<1x80x128xi32, #tpu.memory_space<hbm>>
      %dma_wait3A_19 = tpu.memref_squeeze %dma_wait3A_18 : memref<1x80x128xi32, #tpu.memory_space<hbm>> -> memref<80x128xi32, #tpu.memory_space<hbm>>
      %dma_wait3A_20 = arith.constant 0 : i32
      %dma_wait3A_21 = arith.constant 0 : i32
      %dma_wait3A_22 = tpu.memref_slice %arg4[%add3A, %dma_wait3A_20, %dma_wait3A_21] : memref<32x80x128xi32, #tpu.memory_space<hbm>> -> memref<1x80x128xi32, #tpu.memory_space<hbm>>
      %dma_wait3A_23 = tpu.memref_squeeze %dma_wait3A_22 : memref<1x80x128xi32, #tpu.memory_space<hbm>> -> memref<80x128xi32, #tpu.memory_space<hbm>>
      tpu.wait_dma2 semaphore(%run_scoped3A : memref<!tpu.dma_semaphore, #tpu.memory_space<semaphore_mem>>) src(%dma_wait3A_23 : memref<80x128xi32, #tpu.memory_space<hbm>>) dst(%arg7 : memref<80x128xi32, #tpu.memory_space<vmem>>)
      tpu.yield
    }) : () -> ()
    "tpu.region"() ({
      %run_scoped3A = tpu.sem_alloc : memref<!tpu.dma_semaphore, #tpu.memory_space<semaphore_mem>>
      tpu.enqueue_dma source(%arg2 : memref<10240xf32, #tpu.memory_space<hbm>>) target(%arg8 : memref<10240xf32, #tpu.memory_space<vmem>>) target_semaphore(%run_scoped3A : memref<!tpu.dma_semaphore, #tpu.memory_space<semaphore_mem>>)
      tpu.wait_dma2 semaphore(%run_scoped3A : memref<!tpu.dma_semaphore, #tpu.memory_space<semaphore_mem>>) src(%arg2 : memref<10240xf32, #tpu.memory_space<hbm>>) dst(%arg8 : memref<10240xf32, #tpu.memory_space<vmem>>)
      tpu.yield
    }) : () -> ()
    %scan3A = arith.constant 0 : i32
    %scan3A_1 = arith.constant 640 : i32
    %scan3A_2 = arith.addi %scan3A, %scan3A_1 : i32
    %scan3A_3 = arith.constant 1 : i32
    scf.for %scan3A_10 = %scan3A to %scan3A_2 step %scan3A_3  : i32 {
      %mul3A_11 = arith.constant 16 : i32
      %mul3A_12 = arith.muli %scan3A_10, %mul3A_11 : i32
      %add3A_13 = arith.constant 0 : i32
      %add3A_14 = arith.addi %add3A_13, %mul3A_12 : i32
      %broadcast_in_dim3A = arith.constant 0.000000e+00 : f32
      %broadcast_in_dim3A_15 = vector.broadcast %broadcast_in_dim3A : f32 to vector<16xf32>
      %swap3A = arith.index_cast %add3A_14 : i32 to index
      %swap3A_16 = tpu.vector_load %arg9[%swap3A] {strides = array<i32>} : memref<10240xf32, #tpu.memory_space<vmem>>, vector<16xf32>,
      tpu.vector_store %arg9[%swap3A], %broadcast_in_dim3A_15 {strides = array<i32>} : memref<10240xf32, #tpu.memory_space<vmem>>, vector<16xf32>,
    }
    %scan3A_4 = arith.constant 640 : i32
    %scan3A_5 = arith.constant 0 : i32
    %scan3A_6 = arith.constant 80 : i32
    %scan3A_7 = arith.addi %scan3A_5, %scan3A_6 : i32
    %scan3A_8 = arith.constant 1 : i32
    scf.for %scan3A_10 = %scan3A_5 to %scan3A_7 step %scan3A_8  : i32 {
      %mul3A_11 = arith.constant 1 : i32
      %mul3A_12 = arith.muli %scan3A_10, %mul3A_11 : i32
      %add3A_13 = arith.constant 0 : i32
      %add3A_14 = arith.addi %add3A_13, %mul3A_12 : i32
      %get3A = arith.index_cast %add3A_14 : i32 to index
      %get3A_15 = arith.constant 0 : index
      %get3A_16 = tpu.vector_load %arg6[%get3A, %get3A_15] {strides = array<i32>} : memref<80x128xi32, #tpu.memory_space<vmem>>, vector<16xi32>,
      %get3A_17 = arith.index_cast %add3A_14 : i32 to index
      %get3A_18 = arith.constant 0 : index
      %get3A_19 = tpu.vector_load %arg7[%get3A_17, %get3A_18] {strides = array<i32>} : memref<80x128xi32, #tpu.memory_space<vmem>>, vector<16xi32>,
      %gather3A = tpu.vector_load_idx %arg8[%get3A_16] : memref<10240xf32, #tpu.memory_space<vmem>>[vector<16xi32>], vector<16xf32>,
      tpu.vector_store_idx %arg9[%get3A_19], %gather3A {add = true} : memref<10240xf32, #tpu.memory_space<vmem>>[vector<16xi32>], vector<16xf32>,
      %get3A_20 = arith.index_cast %add3A_14 : i32 to index
      %get3A_21 = arith.constant 16 : index
      %get3A_22 = tpu.vector_load %arg6[%get3A_20, %get3A_21] {strides = array<i32>} : memref<80x128xi32, #tpu.memory_space<vmem>>, vector<16xi32>,
      %get3A_23 = arith.index_cast %add3A_14 : i32 to index
      %get3A_24 = arith.constant 16 : index
      %get3A_25 = tpu.vector_load %arg7[%get3A_23, %get3A_24] {strides = array<i32>} : memref<80x128xi32, #tpu.memory_space<vmem>>, vector<16xi32>,
      %gather3A_26 = tpu.vector_load_idx %arg8[%get3A_22] : memref<10240xf32, #tpu.memory_space<vmem>>[vector<16xi32>], vector<16xf32>,
      tpu.vector_store_idx %arg9[%get3A_25], %gather3A_26 {add = true} : memref<10240xf32, #tpu.memory_space<vmem>>[vector<16xi32>], vector<16xf32>,
      %get3A_27 = arith.index_cast %add3A_14 : i32 to index
      %get3A_28 = arith.constant 32 : index
      %get3A_29 = tpu.vector_load %arg6[%get3A_27, %get3A_28] {strides = array<i32>} : memref<80x128xi32, #tpu.memory_space<vmem>>, vector<16xi32>,
      %get3A_30 = arith.index_cast %add3A_14 : i32 to index
      %get3A_31 = arith.constant 32 : index
      %get3A_32 = tpu.vector_load %arg7[%get3A_30, %get3A_31] {strides = array<i32>} : memref<80x128xi32, #tpu.memory_space<vmem>>, vector<16xi32>,
      %gather3A_33 = tpu.vector_load_idx %arg8[%get3A_29] : memref<10240xf32, #tpu.memory_space<vmem>>[vector<16xi32>], vector<16xf32>,
      tpu.vector_store_idx %arg9[%get3A_32], %gather3A_33 {add = true} : memref<10240xf32, #tpu.memory_space<vmem>>[vector<16xi32>], vector<16xf32>,
      %get3A_34 = arith.index_cast %add3A_14 : i32 to index
      %get3A_35 = arith.constant 48 : index
      %get3A_36 = tpu.vector_load %arg6[%get3A_34, %get3A_35] {strides = array<i32>} : memref<80x128xi32, #tpu.memory_space<vmem>>, vector<16xi32>,
      %get3A_37 = arith.index_cast %add3A_14 : i32 to index
      %get3A_38 = arith.constant 48 : index
      %get3A_39 = tpu.vector_load %arg7[%get3A_37, %get3A_38] {strides = array<i32>} : memref<80x128xi32, #tpu.memory_space<vmem>>, vector<16xi32>,
      %gather3A_40 = tpu.vector_load_idx %arg8[%get3A_36] : memref<10240xf32, #tpu.memory_space<vmem>>[vector<16xi32>], vector<16xf32>,
      tpu.vector_store_idx %arg9[%get3A_39], %gather3A_40 {add = true} : memref<10240xf32, #tpu.memory_space<vmem>>[vector<16xi32>], vector<16xf32>,
      %get3A_41 = arith.index_cast %add3A_14 : i32 to index
      %get3A_42 = arith.constant 64 : index
      %get3A_43 = tpu.vector_load %arg6[%get3A_41, %get3A_42] {strides = array<i32>} : memref<80x128xi32, #tpu.memory_space<vmem>>, vector<16xi32>,
      %get3A_44 = arith.index_cast %add3A_14 : i32 to index
      %get3A_45 = arith.constant 64 : index
      %get3A_46 = tpu.vector_load %arg7[%get3A_44, %get3A_45] {strides = array<i32>} : memref<80x128xi32, #tpu.memory_space<vmem>>, vector<16xi32>,
      %gather3A_47 = tpu.vector_load_idx %arg8[%get3A_43] : memref<10240xf32, #tpu.memory_space<vmem>>[vector<16xi32>], vector<16xf32>,
      tpu.vector_store_idx %arg9[%get3A_46], %gather3A_47 {add = true} : memref<10240xf32, #tpu.memory_space<vmem>>[vector<16xi32>], vector<16xf32>,
      %get3A_48 = arith.index_cast %add3A_14 : i32 to index
      %get3A_49 = arith.constant 80 : index
      %get3A_50 = tpu.vector_load %arg6[%get3A_48, %get3A_49] {strides = array<i32>} : memref<80x128xi32, #tpu.memory_space<vmem>>, vector<16xi32>,
      %get3A_51 = arith.index_cast %add3A_14 : i32 to index
      %get3A_52 = arith.constant 80 : index
      %get3A_53 = tpu.vector_load %arg7[%get3A_51, %get3A_52] {strides = array<i32>} : memref<80x128xi32, #tpu.memory_space<vmem>>, vector<16xi32>,
      %gather3A_54 = tpu.vector_load_idx %arg8[%get3A_50] : memref<10240xf32, #tpu.memory_space<vmem>>[vector<16xi32>], vector<16xf32>,
      tpu.vector_store_idx %arg9[%get3A_53], %gather3A_54 {add = true} : memref<10240xf32, #tpu.memory_space<vmem>>[vector<16xi32>], vector<16xf32>,
      %get3A_55 = arith.index_cast %add3A_14 : i32 to index
      %get3A_56 = arith.constant 96 : index
      %get3A_57 = tpu.vector_load %arg6[%get3A_55, %get3A_56] {strides = array<i32>} : memref<80x128xi32, #tpu.memory_space<vmem>>, vector<16xi32>,
      %get3A_58 = arith.index_cast %add3A_14 : i32 to index
      %get3A_59 = arith.constant 96 : index
      %get3A_60 = tpu.vector_load %arg7[%get3A_58, %get3A_59] {strides = array<i32>} : memref<80x128xi32, #tpu.memory_space<vmem>>, vector<16xi32>,
      %gather3A_61 = tpu.vector_load_idx %arg8[%get3A_57] : memref<10240xf32, #tpu.memory_space<vmem>>[vector<16xi32>], vector<16xf32>,
      tpu.vector_store_idx %arg9[%get3A_60], %gather3A_61 {add = true} : memref<10240xf32, #tpu.memory_space<vmem>>[vector<16xi32>], vector<16xf32>,
      %get3A_62 = arith.index_cast %add3A_14 : i32 to index
      %get3A_63 = arith.constant 112 : index
      %get3A_64 = tpu.vector_load %arg6[%get3A_62, %get3A_63] {strides = array<i32>} : memref<80x128xi32, #tpu.memory_space<vmem>>, vector<16xi32>,
      %get3A_65 = arith.index_cast %add3A_14 : i32 to index
      %get3A_66 = arith.constant 112 : index
      %get3A_67 = tpu.vector_load %arg7[%get3A_65, %get3A_66] {strides = array<i32>} : memref<80x128xi32, #tpu.memory_space<vmem>>, vector<16xi32>,
      %gather3A_68 = tpu.vector_load_idx %arg8[%get3A_64] : memref<10240xf32, #tpu.memory_space<vmem>>[vector<16xi32>], vector<16xf32>,
      tpu.vector_store_idx %arg9[%get3A_67], %gather3A_68 {add = true} : memref<10240xf32, #tpu.memory_space<vmem>>[vector<16xi32>], vector<16xf32>,
    }
    %scan3A_9 = arith.constant 80 : i32
    "tpu.region"() ({
      %run_scoped3A = tpu.sem_alloc : memref<!tpu.dma_semaphore, #tpu.memory_space<semaphore_mem>>
      %dma_start3A = arith.constant 0 : i32
      %dma_start3A_10 = tpu.memref_slice %arg5[%add3A, %dma_start3A] : memref<32x10240xf32, #tpu.memory_space<hbm>> -> memref<1x10240xf32, #tpu.memory_space<hbm>>
      %dma_start3A_11 = tpu.memref_squeeze %dma_start3A_10 : memref<1x10240xf32, #tpu.memory_space<hbm>> -> memref<10240xf32, #tpu.memory_space<hbm>>
      %dma_start3A_12 = arith.constant 0 : i32
      %dma_start3A_13 = tpu.memref_slice %arg5[%add3A, %dma_start3A_12] : memref<32x10240xf32, #tpu.memory_space<hbm>> -> memref<1x10240xf32, #tpu.memory_space<hbm>>
      %dma_start3A_14 = tpu.memref_squeeze %dma_start3A_13 : memref<1x10240xf32, #tpu.memory_space<hbm>> -> memref<10240xf32, #tpu.memory_space<hbm>>
      tpu.enqueue_dma source(%arg9 : memref<10240xf32, #tpu.memory_space<vmem>>) target(%dma_start3A_14 : memref<10240xf32, #tpu.memory_space<hbm>>) target_semaphore(%run_scoped3A : memref<!tpu.dma_semaphore, #tpu.memory_space<semaphore_mem>>)
      %dma_wait3A = arith.constant 0 : i32
      %dma_wait3A_15 = tpu.memref_slice %arg5[%add3A, %dma_wait3A] : memref<32x10240xf32, #tpu.memory_space<hbm>> -> memref<1x10240xf32, #tpu.memory_space<hbm>>
      %dma_wait3A_16 = tpu.memref_squeeze %dma_wait3A_15 : memref<1x10240xf32, #tpu.memory_space<hbm>> -> memref<10240xf32, #tpu.memory_space<hbm>>
      %dma_wait3A_17 = arith.constant 0 : i32
      %dma_wait3A_18 = tpu.memref_slice %arg5[%add3A, %dma_wait3A_17] : memref<32x10240xf32, #tpu.memory_space<hbm>> -> memref<1x10240xf32, #tpu.memory_space<hbm>>
      %dma_wait3A_19 = tpu.memref_squeeze %dma_wait3A_18 : memref<1x10240xf32, #tpu.memory_space<hbm>> -> memref<10240xf32, #tpu.memory_space<hbm>>
      tpu.wait_dma2 semaphore(%run_scoped3A : memref<!tpu.dma_semaphore, #tpu.memory_space<semaphore_mem>>) src(%arg9 : memref<10240xf32, #tpu.memory_space<vmem>>) dst(%dma_wait3A_19 : memref<10240xf32, #tpu.memory_space<hbm>>)
      tpu.yield
    }) : () -> ()
    return
  }
}

module attributes {stable_mosaic.version = 14 : i64} {
  func.func @_mm_body(%arg0: i32, %arg1: memref<1280x128xf32, #tpu.memory_space<vmem>>, %arg2: memref<128x128xf32, #tpu.memory_space<vmem>>, %arg3: memref<1280x128xf32, #tpu.memory_space<vmem>>) attributes {dimension_semantics = [#tpu.dimension_semantics<arbitrary>], iteration_bounds = array<i64: 8>, scalar_prefetch = 0 : i64, scratch_operands = 0 : i64, tpu.core_type = #tpu.core_type<tc>, window_params = [{transform_indices = @transform_0, window_bounds = array<i64: 1280, 128>}, {pipeline_mode = #tpu.pipeline_mode<synchronous>, transform_indices = @transform_1, window_bounds = array<i64: 128, 128>}, {transform_indices = @transform_2, window_bounds = array<i64: 1280, 128>}]} {
    %get3A = arith.constant 0 : index
    %get3A_0 = arith.constant 0 : index
    %get3A_1 = vector.load %arg1[%get3A, %get3A_0] : memref<1280x128xf32, #tpu.memory_space<vmem>>, vector<1280x128xf32>
    %get3A_2 = arith.constant 0 : index
    %get3A_3 = arith.constant 0 : index
    %get3A_4 = vector.load %arg2[%get3A_2, %get3A_3] : memref<128x128xf32, #tpu.memory_space<vmem>>, vector<128x128xf32>
    %dot_general3A = arith.constant dense<0.000000e+00> : vector<1280x128xf32>
    %dot_general3A_5 = tpu.matmul %get3A_1, %get3A_4, %dot_general3A {dimension_numbers = #tpu.dot_dimension_numbers<[1], [0], [0], [1], [0, 0, 1, 1], [], []>, precision = #tpu.contract_precision<fp32>, transpose_lhs_hint = false} : vector<1280x128xf32>, vector<128x128xf32>, vector<1280x128xf32> -> vector<1280x128xf32>
    %swap3A = arith.constant 0 : index
    %swap3A_6 = arith.constant 0 : index
    %swap3A_7 = vector.load %arg3[%swap3A, %swap3A_6] : memref<1280x128xf32, #tpu.memory_space<vmem>>, vector<1280x128xf32>
    tpu.vector_store %arg3[%swap3A, %swap3A_6], %dot_general3A_5 {strides = array<i32>} : memref<1280x128xf32, #tpu.memory_space<vmem>>, vector<1280x128xf32>,
    return
  }
  func.func @transform_0(%arg0: i32) -> (i32, i32) {
    %c0_i32 = arith.constant 0 : i32
    %c0_i32_0 = arith.constant 0 : i32
    return %arg0, %c0_i32 : i32, i32
  }
  func.func @transform_1(%arg0: i32) -> (i32, i32) {
    %c0_i32 = arith.constant 0 : i32
    %c0_i32_0 = arith.constant 0 : i32
    %c0_i32_1 = arith.constant 0 : i32
    return %c0_i32, %c0_i32_0 : i32, i32
  }
  func.func @transform_2(%arg0: i32) -> (i32, i32) {
    %c0_i32 = arith.constant 0 : i32
    %c0_i32_0 = arith.constant 0 : i32
    return %arg0, %c0_i32 : i32, i32
  }
}

module attributes {stable_mosaic.version = 14 : i64} {
  func.func @_scale_body(%arg0: i32, %arg1: memref<32x1280xf32, #tpu.memory_space<vmem>>, %arg2: memref<1280x128xf32, #tpu.memory_space<vmem>>, %arg3: memref<1280x128xf32, #tpu.memory_space<vmem>>, %arg4: memref<1280x1xf32, #tpu.memory_space<vmem>>) attributes {dimension_semantics = [#tpu.dimension_semantics<arbitrary>], iteration_bounds = array<i64: 8>, scalar_prefetch = 0 : i64, scratch_operands = 0 : i64, tpu.core_type = #tpu.core_type<tc>, window_params = [{transform_indices = @transform_0, window_bounds = array<i64: 32, 1280>}, {transform_indices = @transform_1, window_bounds = array<i64: 1280, 128>}, {transform_indices = @transform_2, window_bounds = array<i64: 1280, 128>}, {transform_indices = @transform_3, window_bounds = array<i64: 1280, 1>}]} {
    %get3A = arith.constant 0 : index
    %get3A_0 = arith.constant 0 : index
    %get3A_1 = vector.load %arg1[%get3A, %get3A_0] : memref<32x1280xf32, #tpu.memory_space<vmem>>, vector<32x1280xf32>
    %reduce_sum3A = arith.constant dense<0.000000e+00> : vector<1280xf32>
    %reduce_sum3A_2 = vector.multi_reduction <add>, %get3A_1, %reduce_sum3A [0] : vector<32x1280xf32> to vector<1280xf32>
    %add3A = arith.constant 1.000000e+00 : f32
    %add3A_3 = vector.broadcast %add3A : f32 to vector<1280xf32>
    %add3A_4 = arith.addf %add3A_3, %reduce_sum3A_2 : vector<1280xf32>
    %rsqrt3A = math.rsqrt %add3A_4 : vector<1280xf32>
    %broadcast_in_dim3A = vector.shape_cast %rsqrt3A : vector<1280xf32> to vector<1280x1xf32>
    %swap3A = arith.constant 0 : index
    %swap3A_5 = arith.constant 0 : index
    %swap3A_6 = vector.load %arg4[%swap3A, %swap3A_5] : memref<1280x1xf32, #tpu.memory_space<vmem>>, vector<1280x1xf32>
    tpu.vector_store %arg4[%swap3A, %swap3A_5], %broadcast_in_dim3A {strides = array<i32>} : memref<1280x1xf32, #tpu.memory_space<vmem>>, vector<1280x1xf32>,
    %get3A_7 = arith.constant 0 : index
    %get3A_8 = arith.constant 0 : index
    %get3A_9 = vector.load %arg2[%get3A_7, %get3A_8] : memref<1280x128xf32, #tpu.memory_space<vmem>>, vector<1280x128xf32>
    %mul3A = vector.broadcast %broadcast_in_dim3A : vector<1280x1xf32> to vector<1280x128xf32>
    %mul3A_10 = arith.mulf %get3A_9, %mul3A : vector<1280x128xf32>
    %swap3A_11 = arith.constant 0 : index
    %swap3A_12 = arith.constant 0 : index
    %swap3A_13 = vector.load %arg3[%swap3A_11, %swap3A_12] : memref<1280x128xf32, #tpu.memory_space<vmem>>, vector<1280x128xf32>
    tpu.vector_store %arg3[%swap3A_11, %swap3A_12], %mul3A_10 {strides = array<i32>} : memref<1280x128xf32, #tpu.memory_space<vmem>>, vector<1280x128xf32>,
    return
  }
  func.func @transform_0(%arg0: i32) -> (i32, i32) {
    %c0_i32 = arith.constant 0 : i32
    %c0_i32_0 = arith.constant 0 : i32
    return %c0_i32, %arg0 : i32, i32
  }
  func.func @transform_1(%arg0: i32) -> (i32, i32) {
    %c0_i32 = arith.constant 0 : i32
    %c0_i32_0 = arith.constant 0 : i32
    return %arg0, %c0_i32 : i32, i32
  }
  func.func @transform_2(%arg0: i32) -> (i32, i32) {
    %c0_i32 = arith.constant 0 : i32
    %c0_i32_0 = arith.constant 0 : i32
    return %arg0, %c0_i32 : i32, i32
  }
  func.func @transform_3(%arg0: i32) -> (i32, i32) {
    %c0_i32 = arith.constant 0 : i32
    %c0_i32_0 = arith.constant 0 : i32
    return %arg0, %c0_i32 : i32, i32
  }
}

module attributes {stable_mosaic.version = 14 : i64} {
  func.func @_mid_body(%arg0: i32, %arg1: memref<2x1280x128xf32, #tpu.memory_space<vmem>>, %arg2: memref<1280x128xf32, #tpu.memory_space<vmem>>, %arg3: memref<1280x1xf32, #tpu.memory_space<vmem>>, %arg4: memref<1x128xf32, #tpu.memory_space<vmem>>, %arg5: memref<1x128xf32, #tpu.memory_space<vmem>>, %arg6: memref<1280x1xf32, #tpu.memory_space<vmem>>) attributes {dimension_semantics = [#tpu.dimension_semantics<arbitrary>], iteration_bounds = array<i64: 8>, scalar_prefetch = 0 : i64, scratch_operands = 0 : i64, tpu.core_type = #tpu.core_type<tc>, window_params = [{transform_indices = @transform_0, window_bounds = array<i64: 2, 1280, 128>}, {transform_indices = @transform_1, window_bounds = array<i64: 1280, 128>}, {transform_indices = @transform_2, window_bounds = array<i64: 1280, 1>}, {pipeline_mode = #tpu.pipeline_mode<synchronous>, transform_indices = @transform_3, window_bounds = array<i64: 1, 128>}, {pipeline_mode = #tpu.pipeline_mode<synchronous>, transform_indices = @transform_4, window_bounds = array<i64: 1, 128>}, {transform_indices = @transform_5, window_bounds = array<i64: 1280, 1>}]} {
    %get3A = arith.constant 0 : index
    %get3A_0 = arith.constant 0 : index
    %get3A_1 = vector.load %arg3[%get3A, %get3A_0] : memref<1280x1xf32, #tpu.memory_space<vmem>>, vector<1280x1xf32>
    %get3A_2 = arith.constant 0 : index
    %get3A_3 = arith.constant 0 : index
    %get3A_4 = arith.constant 0 : index
    %get3A_5 = vector.load %arg1[%get3A_2, %get3A_3, %get3A_4] : memref<2x1280x128xf32, #tpu.memory_space<vmem>>, vector<1x1280x128xf32>
    %get3A_6 = vector.shape_cast %get3A_5 : vector<1x1280x128xf32> to vector<1280x128xf32>
    %get3A_7 = arith.constant 1 : index
    %get3A_8 = arith.constant 0 : index
    %get3A_9 = arith.constant 0 : index
    %get3A_10 = vector.load %arg1[%get3A_7, %get3A_8, %get3A_9] : memref<2x1280x128xf32, #tpu.memory_space<vmem>>, vector<1x1280x128xf32>
    %get3A_11 = vector.shape_cast %get3A_10 : vector<1x1280x128xf32> to vector<1280x128xf32>
    %add3A = arith.addf %get3A_6, %get3A_11 : vector<1280x128xf32>
    %get3A_12 = arith.constant 0 : index
    %get3A_13 = arith.constant 0 : index
    %get3A_14 = vector.load %arg2[%get3A_12, %get3A_13] : memref<1280x128xf32, #tpu.memory_space<vmem>>, vector<1280x128xf32>
    %sub3A = arith.subf %add3A, %get3A_14 : vector<1280x128xf32>
    %mul3A = vector.broadcast %get3A_1 : vector<1280x1xf32> to vector<1280x128xf32>
    %mul3A_15 = arith.mulf %mul3A, %sub3A : vector<1280x128xf32>
    %get3A_16 = arith.constant 0 : index
    %get3A_17 = arith.constant 0 : index
    %get3A_18 = vector.load %arg4[%get3A_16, %get3A_17] : memref<1x128xf32, #tpu.memory_space<vmem>>, vector<1x128xf32>
    %add3A_19 = vector.broadcast %get3A_18 : vector<1x128xf32> to vector<1280x128xf32>
    %add3A_20 = arith.addf %mul3A_15, %add3A_19 : vector<1280x128xf32>
    %max3A = arith.constant 0.000000e+00 : f32
    %max3A_21 = vector.broadcast %max3A : f32 to vector<1280x128xf32>
    %max3A_22 = arith.maximumf %add3A_20, %max3A_21 : vector<1280x128xf32>
    %get3A_23 = arith.constant 0 : index
    %get3A_24 = arith.constant 0 : index
    %get3A_25 = vector.load %arg5[%get3A_23, %get3A_24] : memref<1x128xf32, #tpu.memory_space<vmem>>, vector<1x128xf32>
    %mul3A_26 = vector.broadcast %get3A_25 : vector<1x128xf32> to vector<1280x128xf32>
    %mul3A_27 = arith.mulf %max3A_22, %mul3A_26 : vector<1280x128xf32>
    %reduce_sum3A = arith.constant dense<0.000000e+00> : vector<1280xf32>
    %reduce_sum3A_28 = vector.multi_reduction <add>, %mul3A_27, %reduce_sum3A [1] : vector<1280x128xf32> to vector<1280xf32>
    %broadcast_in_dim3A = vector.shape_cast %reduce_sum3A_28 : vector<1280xf32> to vector<1280x1xf32>
    %mul3A_29 = arith.mulf %get3A_1, %broadcast_in_dim3A : vector<1280x1xf32>
    %swap3A = arith.constant 0 : index
    %swap3A_30 = arith.constant 0 : index
    %swap3A_31 = vector.load %arg6[%swap3A, %swap3A_30] : memref<1280x1xf32, #tpu.memory_space<vmem>>, vector<1280x1xf32>
    tpu.vector_store %arg6[%swap3A, %swap3A_30], %mul3A_29 {strides = array<i32>} : memref<1280x1xf32, #tpu.memory_space<vmem>>, vector<1280x1xf32>,
    return
  }
  func.func @transform_0(%arg0: i32) -> (i32, i32, i32) {
    %c0_i32 = arith.constant 0 : i32
    %c0_i32_0 = arith.constant 0 : i32
    %c0_i32_1 = arith.constant 0 : i32
    return %c0_i32, %arg0, %c0_i32_0 : i32, i32, i32
  }
  func.func @transform_1(%arg0: i32) -> (i32, i32) {
    %c0_i32 = arith.constant 0 : i32
    %c0_i32_0 = arith.constant 0 : i32
    return %arg0, %c0_i32 : i32, i32
  }
  func.func @transform_2(%arg0: i32) -> (i32, i32) {
    %c0_i32 = arith.constant 0 : i32
    %c0_i32_0 = arith.constant 0 : i32
    return %arg0, %c0_i32 : i32, i32
  }
  func.func @transform_3(%arg0: i32) -> (i32, i32) {
    %c0_i32 = arith.constant 0 : i32
    %c0_i32_0 = arith.constant 0 : i32
    %c0_i32_1 = arith.constant 0 : i32
    return %c0_i32, %c0_i32_0 : i32, i32
  }
  func.func @transform_4(%arg0: i32) -> (i32, i32) {
    %c0_i32 = arith.constant 0 : i32
    %c0_i32_0 = arith.constant 0 : i32
    %c0_i32_1 = arith.constant 0 : i32
    return %c0_i32, %c0_i32_0 : i32, i32
  }
  func.func @transform_5(%arg0: i32) -> (i32, i32) {
    %c0_i32 = arith.constant 0 : i32
    %c0_i32_0 = arith.constant 0 : i32
    return %arg0, %c0_i32 : i32, i32
  }
}

module attributes {stable_mosaic.version = 14 : i64} {
  func.func @_final_body(%arg0: i32, %arg1: memref<32x1280xf32, #tpu.memory_space<vmem>>, %arg2: memref<1280x1xf32, #tpu.memory_space<vmem>>, %arg3: memref<1280x1xf32, #tpu.memory_space<vmem>>, %arg4: memref<1x1xf32, #tpu.memory_space<vmem>>, %arg5: memref<1280x1xf32, #tpu.memory_space<vmem>>) attributes {dimension_semantics = [#tpu.dimension_semantics<arbitrary>], iteration_bounds = array<i64: 8>, scalar_prefetch = 0 : i64, scratch_operands = 0 : i64, tpu.core_type = #tpu.core_type<tc>, window_params = [{transform_indices = @transform_0, window_bounds = array<i64: 32, 1280>}, {transform_indices = @transform_1, window_bounds = array<i64: 1280, 1>}, {transform_indices = @transform_2, window_bounds = array<i64: 1280, 1>}, {pipeline_mode = #tpu.pipeline_mode<synchronous>, transform_indices = @transform_3, window_bounds = array<i64: 1, 1>}, {transform_indices = @transform_4, window_bounds = array<i64: 1280, 1>}]} {
    %get3A = arith.constant 0 : index
    %get3A_0 = arith.constant 0 : index
    %get3A_1 = vector.load %arg1[%get3A, %get3A_0] : memref<32x1280xf32, #tpu.memory_space<vmem>>, vector<32x1280xf32>
    %reduce_sum3A = arith.constant dense<0.000000e+00> : vector<1280xf32>
    %reduce_sum3A_2 = vector.multi_reduction <add>, %get3A_1, %reduce_sum3A [0] : vector<32x1280xf32> to vector<1280xf32>
    %broadcast_in_dim3A = vector.shape_cast %reduce_sum3A_2 : vector<1280xf32> to vector<1280x1xf32>
    %get3A_3 = arith.constant 0 : index
    %get3A_4 = arith.constant 0 : index
    %get3A_5 = vector.load %arg3[%get3A_3, %get3A_4] : memref<1280x1xf32, #tpu.memory_space<vmem>>, vector<1280x1xf32>
    %get3A_6 = arith.constant 0 : index
    %get3A_7 = arith.constant 0 : index
    %get3A_8 = vector.load %arg2[%get3A_6, %get3A_7] : memref<1280x1xf32, #tpu.memory_space<vmem>>, vector<1280x1xf32>
    %add3A = arith.addf %broadcast_in_dim3A, %get3A_8 : vector<1280x1xf32>
    %mul3A = arith.mulf %get3A_5, %add3A : vector<1280x1xf32>
    %get3A_9 = arith.constant 0 : index
    %get3A_10 = arith.constant 0 : index
    %get3A_11 = vector.load %arg4[%get3A_9, %get3A_10] : memref<1x1xf32, #tpu.memory_space<vmem>>, vector<1x1xf32>
    %add3A_12 = vector.broadcast %get3A_11 : vector<1x1xf32> to vector<1280x1xf32>
    %add3A_13 = arith.addf %mul3A, %add3A_12 : vector<1280x1xf32>
    %swap3A = arith.constant 0 : index
    %swap3A_14 = arith.constant 0 : index
    %swap3A_15 = vector.load %arg5[%swap3A, %swap3A_14] : memref<1280x1xf32, #tpu.memory_space<vmem>>, vector<1280x1xf32>
    tpu.vector_store %arg5[%swap3A, %swap3A_14], %add3A_13 {strides = array<i32>} : memref<1280x1xf32, #tpu.memory_space<vmem>>, vector<1280x1xf32>,
    return
  }
  func.func @transform_0(%arg0: i32) -> (i32, i32) {
    %c0_i32 = arith.constant 0 : i32
    %c0_i32_0 = arith.constant 0 : i32
    return %c0_i32, %arg0 : i32, i32
  }
  func.func @transform_1(%arg0: i32) -> (i32, i32) {
    %c0_i32 = arith.constant 0 : i32
    %c0_i32_0 = arith.constant 0 : i32
    return %arg0, %c0_i32 : i32, i32
  }
  func.func @transform_2(%arg0: i32) -> (i32, i32) {
    %c0_i32 = arith.constant 0 : i32
    %c0_i32_0 = arith.constant 0 : i32
    return %arg0, %c0_i32 : i32, i32
  }
  func.func @transform_3(%arg0: i32) -> (i32, i32) {
    %c0_i32 = arith.constant 0 : i32
    %c0_i32_0 = arith.constant 0 : i32
    %c0_i32_1 = arith.constant 0 : i32
    return %c0_i32, %c0_i32_0 : i32, i32
  }
  func.func @transform_4(%arg0: i32) -> (i32, i32) {
    %c0_i32 = arith.constant 0 : i32
    %c0_i32_0 = arith.constant 0 : i32
    return %arg0, %c0_i32 : i32, i32
  }
}

</mosaic_0001>

<sc_bundles>
// kernel: kernel.12.cloned.1.call-start
scs
__scs_entry_jumppad:
0x0: {  	(pc) =	sbr.rel $0x88, $3  }
0x1: {  	(tag) =	ssettag $0x0;
	lr =	simm.s32 $0x1  }
0x2: {  	[smem:$0x3F9B] =	sst lr;
	_ =	strace $0xD0000000  }
0x3: {  	_ = 	snop  }
0x4: {  	_ = 	snop  }
0x5: {  	_ = 	snop  }
0x6: {  	_ = 	snop  }
0x7: {  	_ = 	snop  }
__scs_overlays_trampoline_lowered:
0x8: {  	[smem:$0x3FAA] =	sst s0  }
0x9: {  	[smem:$0x3FAB] =	sst s1  }
0xa: {  	[smem:$0x3FAC] =	sst s2  }
0xb: {  	[smem:$0x3FAD] =	sst s3  }
0xc: {  	[smem:$0x3FAE] =	sst s4  }
0xd: {  	[smem:$0x3FAF] =	sst s5  }
0xe: {  	[smem:$0x3FB0] =	sst s6  }
0xf: {  	[smem:$0x3FB1] =	sst s7  }
0x10: {  	[smem:$0x3FB2] =	sst s8  }
0x11: {  	[smem:$0x3FB3] =	sst s9;
	s0 =	simm.s32 @!p0 $0x0  }
0x12: {  	s1 =	sld [smem:$0x3F99];
	s0 =	simm.s32 @p0 $0x1  }
0x13: {  	[smem:$0x3FB4] =	sst s0;
	s0 =	simm.s32 @!p1 $0x0  }
0x14: {  	s2 =	sld [smem:$0x3F98];
	s0 =	simm.s32 @p1 $0x1  }
0x15: {  	[smem:$0x3FB5] =	sst s0;
	s0 =	simm.s32 @!p2 $0x0  }
0x16: {  	s3 =	sld [smem:$0x3FDB];
	s0 =	simm.s32 @p2 $0x1  }
0x17: {  	s4 =	simm.s32 $0x1BF5;
	[smem:$0x3FB7] =	sst s0  }
0x18: {  	s0 =	sld [smem:$0x3F9A];
	_ =	swait.ge [sflag:s4], $0x0  }
0x19: {  	s7 =	sld [smem:$0x3F9B]  }
0x1a: {  	s8 =	sadd.s32 $0xFFFFE003, lr  }
0x1b: {  	s9 =	sadd.s32 $0xFFFFFEF7, lr;
	s5 =	simm.s32 $0xFFFFFFFF;
	p2 =	slt.u32 s8, $0xFFFFF086  }
0x1c: {  	p1 =	slt.u32 s9, $0xF7A;
	s5 =	simm.s32 @!p2 $0x0  }
0x1d: {  	s5 =	simm.s32 @p1 $0x1;
	p0 =	seq.s32 s7, s2  }
0x1e: {  	s7 =	smul.u32 @!p0 $0xF7A, s2;
	p2 =	seq.s32 @!p0 s5, $0x0  }
0x1f: {  	s9 =	smul.u32 $0xF7A, s1;
	s8 =	simm.s32 @!p0 $0x1BF5;
	p2 =	por !p2, p0  }
0x20: {  	[sflag:s8] =	ssyncset.s32 @!p0 $0xFFFFF086;
	s6 =	sadd.s32 @!p0 s3, s7;
	s7 =	simm.s32 @!p0 $0x108  }
0x21: {  	s3 =	sadd.s32 s3, s9;
	s6 =	sadd.s32 @!p0 $0x88, s6;
	s7 =	simm.s32 @p2 $0x1082  }
0x22: {  	[simem:s7], [sflag:s8] =	dma.local @!p0 [hbm:s6], $0xF7A  }
0x23: {  	s9 =	sor.u32 $0xD0000000, s2;
	s6 =	simm.s32 $0x108;
	_ =	swait.ge @!p0 [sflag:s8], $0x0  }
0x24: {  	s3 =	sadd.s32 $0x88, s3;
	s6 =	simm.s32 @!p1 $0x1082;
	[sflag:s4] =	ssyncset.s32 $0xFFFFF086  }
0x25: {  	[simem:s6], [sflag:s4] =	dma.local [hbm:s3], $0xF7A  }
0x26: {  	[smem:$0x3F9B] =	sst s1;
	(tag) =	ssettag s2;
	_ =	strace s9  }
0x27: {  	s1 =	sld [smem:$0x3FAB]  }
0x28: {  	s2 =	sld [smem:$0x3FAC]  }
0x29: {  	s4 =	sld [smem:$0x3FAE]  }
0x2a: {  	p0 =	seq.s32 s5, $0x0;
	s5 =	sld [smem:$0x3FAF]  }
0x2b: {  	s6 =	sld [smem:$0x3FB0]  }
0x2c: {  	s7 =	sld [smem:$0x3FB1]  }
0x2d: {  	s3 =	simm.s32 $0x108;
	s8 =	sld [smem:$0x3FB2]  }
0x2e: {  	s3 =	simm.s32 @!p0 $0x1082;
	s9 =	sld [smem:$0x3FB3]  }
0x2f: {  	lr =	sadd.s32 s0, s3;
	s0 =	sld [smem:$0x3FAA]  }
0x30: {  	s3 =	sld [smem:$0x3FAD]  }
0x31: {  	[smem:$0x3FB6] =	sst s10  }
0x32: {  	s10 =	sld [smem:$0x3FB4];
	_ =	sdelay $0x3  }
0x33: {  	p0 =	seq.s32 s10, $0x1;
	s10 =	sld [smem:$0x3FB6];
	_ =	sdelay $0x3  }
0x34: {  	[smem:$0x3FB6] =	sst s10  }
0x35: {  	s10 =	sld [smem:$0x3FB5];
	_ =	sdelay $0x3  }
0x36: {  	p1 =	seq.s32 s10, $0x1;
	s10 =	sld [smem:$0x3FB6];
	_ =	sdelay $0x3  }
0x37: {  	[smem:$0x3FB6] =	sst s10  }
0x38: {  	s10 =	sld [smem:$0x3FB7]  }
0x39: {  	_ = 	snop;
	(pc) =	sbr.ind lr, $3  }
0x3a: {  	_ = 	snop  }
0x3b: {  	_ = 	snop  }
0x3c: {  	p2 =	seq.s32 s10, $0x1;
	s10 =	sld [smem:$0x3FB6]  }
0x3d: {  	_ =	shalt  }
0x3e: {  	_ =	shalt  }
0x3f: {  	_ =	shalt  }
0x40: {  	_ =	shalt  }
0x41: {  	_ =	shalt  }
0x42: {  	_ =	shalt  }
0x43: {  	_ =	shalt  }
0x44: {  	_ =	shalt  }
0x45: {  	_ =	shalt  }
0x46: {  	_ =	shalt  }
0x47: {  	_ =	shalt  }
0x48: {  	_ =	shalt  }
0x49: {  	_ =	shalt  }
0x4a: {  	_ =	shalt  }
0x4b: {  	_ =	shalt  }
0x4c: {  	_ =	shalt  }
0x4d: {  	_ =	shalt  }
0x4e: {  	_ =	shalt  }
0x4f: {  	_ =	shalt  }
0x50: {  	_ =	shalt  }
0x51: {  	_ =	shalt  }
0x52: {  	_ =	shalt  }
0x53: {  	_ =	shalt  }
0x54: {  	_ =	shalt  }
0x55: {  	_ =	shalt  }
0x56: {  	_ =	shalt  }
0x57: {  	_ =	shalt  }
0x58: {  	_ =	shalt  }
0x59: {  	_ =	shalt  }
0x5a: {  	_ =	shalt  }
0x5b: {  	_ =	shalt  }
0x5c: {  	_ =	shalt  }
0x5d: {  	_ =	shalt  }
0x5e: {  	_ =	shalt  }
0x5f: {  	_ =	shalt  }
0x60: {  	_ =	shalt  }
0x61: {  	_ =	shalt  }
0x62: {  	_ =	shalt  }
0x63: {  	_ =	shalt  }
0x64: {  	_ =	shalt  }
0x65: {  	_ =	shalt  }
0x66: {  	_ =	shalt  }
0x67: {  	_ =	shalt  }
0x68: {  	_ =	shalt  }
0x69: {  	_ =	shalt  }
0x6a: {  	_ =	shalt  }
0x6b: {  	_ =	shalt  }
0x6c: {  	_ =	shalt  }
0x6d: {  	_ =	shalt  }
0x6e: {  	_ =	shalt  }
0x6f: {  	_ =	shalt  }
0x70: {  	_ =	shalt  }
0x71: {  	_ =	shalt  }
0x72: {  	_ =	shalt  }
0x73: {  	_ =	shalt  }
0x74: {  	_ =	shalt  }
0x75: {  	_ =	shalt  }
0x76: {  	_ =	shalt  }
0x77: {  	_ =	shalt  }
0x78: {  	_ =	shalt  }
0x79: {  	_ =	shalt  }
0x7a: {  	_ =	shalt  }
0x7b: {  	_ =	shalt  }
0x7c: {  	_ =	shalt  }
0x7d: {  	_ =	shalt  }
0x7e: {  	_ =	shalt  }
0x7f: {  	_ =	shalt  }
0x80: {  	_ =	shalt  }
0x81: {  	_ =	shalt  }
0x82: {  	_ =	shalt  }
0x83: {  	_ =	shalt  }
0x84: {  	_ =	shalt  }
0x85: {  	_ =	shalt  }
0x86: {  	_ =	shalt  }
0x87: {  	_ =	shalt  }
.Lfunc_end0:
.L_simem_size_0:
called_computation.1_lowered:
.L_overlay_start_0:
0x88: {  	s2 =	sld [smem:$0x3FD9]  }
0x89: {  	s3 =	sld [smem:$0x3FFE];
	_ =	sdelay $0x1  }
0x8a: {  	s1 =	srdreg.scid  }
0x8b: {  	s0 =	sand.u32 $0x1, s1  }
0x8c: {  	s16 =	sshll.u32 s0, $0xA;
	s2 =	sadd.s32 s3, s2  }
0x8d: {  	s2 =	sadd.s32 s2, s16  }
0x8e: {  	[smem:$0x3FC2] =	sst s2  }
0x8f: {  	_ = 	snop  }
0x90: {  	(tm) =	ssettm $0x1  }
0x91: {  	s17 =	sld [smem:$0x3FFB];
	_ =	sdelay $0x3  }
0x92: {  	_ =	strace s17  }
0x93: {  	s2 =	sld [smem:$0x3FFC];
	_ =	sdelay $0x3  }
0x94: {  	_ =	strace s2  }
0x95: {  	s2 =	sld [smem:$0x3FFD];
	_ =	sdelay $0x3  }
0x96: {  	_ =	strace s2  }
0x97: {  	_ =	strace $0x8FFFFFFF  }
0x98: {  	s18 =	sld [smem:$0x3FDB];
	_ =	sdelay $0x1  }
0x99: {  	s19 =	simm.s32 $_scs_section_size  }
0x9a: {  	s4 =	simm.s32 $_size__tile_overlayer_lowered;
	s5 =	simm.s32 $_tile_overlayer_lowered  }
0x9b: {  	s22 =	simm.s32 $0x1BFF;
	s21 =	sshll.u32 s5, $0x1;
	s2 =	sadd.s32 s19, s18  }
0x9c: {  	s6 =	simm.s32 $0x0;
	s20 =	sshll.u32 s4, $0x1;
	s4 =	sadd.s32 s21, s2  }
0x9d: {  	[timem:s6], [sflag:s22] =	dma.local [hbm:s4], s20  }
0x9e: {  	_ =	swait.ge [sflag:s22], s20  }
0x9f: {  	s3 =	ssub.s32 $0x0, s20;
	[sflag:s22] =	ssyncset.done $0x0  }
0xa0: {  	[sflag:s22] =	ssyncadd.s32 s3;
	_ =	sdelay $0x1  }
0xa1: {  	s23 =	simm.s32 $0x1B8B  }
0xa2: {  	_ =	swait.ge [sflag:s23], $0x1  }
0xa3: {  	[sflag:s23] =	ssyncset.done $0x0  }
0xa4: {  	s25 =	simm.s32 $0x1B8E;
	s24 =	sld [smem:$0x3FFE];
	[sflag:s23] =	ssyncadd.s32 $0xFFFFFFFF  }
0xa5: {  	s26 =	simm.s32 $execute0_lowered;
	[smem:$0x3FD2] =	sst s25  }
0xa6: {  	s4 =	sshll.u32 s26, $0x1;
	_ =	strace $0x80000049;
	[dreg:$0x1] =	wrdreg $0xFFFFFFFF  }
0xa7: {  	s28 =	simm.s32 $_size_execute0_lowered;
	s2 =	sadd.s32 s2, s4;
	[dreg:$0x0] =	wrdreg $0x0  }
0xa8: {  	s4 =	sshll.u32 s28, $0x1;
	[dreg:$0x2] =	wrdreg s2  }
0xa9: {  	[dreg:$0x3] =	wrdreg s4  }
0xaa: {  	[dreg:$0x4] =	wrdreg $0xC0  }
0xab: {  	_ =	task [dreg:s6], $0x5FFFF  }
0xac: {  	[dreg:$0x1] =	wrdreg $0xFFFFFFFF  }
0xad: {  	[dreg:$0x0] =	wrdreg $0x60  }
0xae: {  	[dreg:$0x2] =	wrdreg s24  }
0xaf: {  	[dreg:$0x3] =	wrdreg $0x84000  }
0xb0: {  	[dreg:$0x4] =	wrdreg $0x9  }
0xb1: {  	_ =	task.clear_ibuf [dreg:s6], $0x5FFFF;
	_ =	strace $0x90000049  }
0xb2: {  	s29 =	simm.s32 $0x9;
	_ =	strace $0x8000004B  }
0xb3: {  	_ =	swait.ge [sflag:s29], $0x1  }
0xb4: {  	[sflag:s29] =	ssyncadd.s32 $0xFFFFFFFF  }
0xb5: {  	_ =	strace $0x9000004B  }
0xb6: {  	_ =	sfence  }
0xb7: {  	s30 =	sld [smem:$0x0];
	_ =	sdelay $0x2  }
0xb8: {  	s31 =	sshll.u32 s1, $0xD;
	s1 =	sshrl.u32 s1, $0x2  }
0xb9: {  	s3 =	sand.u32 $0x4000, s31;
	s1 =	sadd.s32 s1, s30  }
0xba: {  	s0 =	sor.u32 s3, s0;
	s1 =	sshll.u32 s1, $0x11  }
0xbb: {  	s0 =	sor.u32 s1, s0  }
0xbc: {  	s0 =	sadd.s32 $0x8F2B, s0  }
0xbd: {  	[sflag:s0] =	ssyncadd.remote.s32 $0x1  }
0xbe: {  	_ =	sfence.sel $0xFFFF  }
0xbf: {  	[dreg:$0x0] =	wrdreg $0xFFFFFFFF;
	(pc) =	sbr.abs _section_cstart, $3  }
0xc0: {  	[dreg:$0x1] =	wrdreg $0xFFFFFFFF  }
0xc1: {  	_ =	task.clear_ibuf [dreg:s6], $0x2FFFF;
	_ =	strace $0x9FFFFFFF  }
0xc2: {  	(tm) =	ssettm $0x7FFFFFFF  }
0xc3: {  	_ =	shalt  }
tec
execute0_lowered:
.L_overlay_start_1:
0x0: {  	(tag) =	ssettag $0x1  }
0x1: {  	s0 =	rddreg [dreg:$0x0]  }
0x2: {  	s2 =	rddreg [dreg:$0x1];
	s1 =	srdreg.scid  }
0x3: {  	s12 =	stileid.u32;
	s3 =	simm.s32 $0x0;
	s29 =	simm.s32 $0x3  }
0x4: {  	s30 =	simm.s32 $0x400;
	s31 =	simm.s32 $0x4;
	s14 =	simm.s32 $0xA  }
0x5: {  	s15 =	simm.s32 $0x380;
	s1 =	sand.u32 $0x1, s1;
	s8 =	smul.u32 $0x14000, s12  }
0x6: {  	[smem:$0x7FF] =	sst s3;
	s5 =	sshll.u32 s12, $0x1;
	s4 =	sadd.s32 $0x15E00, s0  }
0x7: {  	s22 =	smul.u32 $0x50000, s12;
	s26 =	sshll.u32 s12, $0x6;
	s12 =	simm.s32 $0x6  }
0x8: {  	s6 =	smul.u32 $0x140000, s1;
	s7 =	sor.u32 s1, s5;
	s1 =	ssub.s32 $0x2, s1  }
0x9: {  	_ =	strace $0x8000004A;
	s5 =	sadd.s32 $0x1E00, s0;
	s17 =	sshrl.u32 s1, $0x1  }
0xa: {  	s25 =	sshrl.u32 s22, $0x2;
	s22 =	simm.s32 $0x80;
	s9 =	sadd.s32 s8, s6  }
0xb: {  	s6 =	smul.u32 $0x2800, s7;
	s7 =	sadd.s32 $0xBE00, s0;
	s1 =	ssub.s32 s1, s17  }
0xc: {  	s8 =	sshrl.u32 s8, $0x3;
	s17 =	sor.u32 $0x1C0B, s26;
	s26 =	simm.s32 $0x180  }
0xd: {  	s9 =	sshrl.u32 s9, $0x3;
	s8 =	sadd.s32 s4, s8;
	[dreg:$0xd] =	wrdreg s17  }
0xe: {  	s28 =	smax.u32 s1, $0x1;
	s1 =	simm.s32 $0x1;
	[dreg:$0xc] =	wrdreg s8  }
0xf: {  	s0 =	sadd.s32 s9, s0;
	s10 =	sshrl.u32 s6, $0x3;
	[dreg:$0xf] =	wrdreg s28  }
0x10: {  	s8 =	simm.s32 $0x2;
	s18 =	sadd.s32 s5, s10;
	s19 =	sor.u32 $0x10, s10  }
0x11: {  	s11 =	sadd.s32 s7, s10;
	s21 =	sor.u32 $0x20, s10;
	[dreg:$0x3] =	wrdreg s18  }
0x12: {  	s10 =	sor.u32 $0x30, s10;
	s0 =	sadd.s32 $0x3DE00, s0;
	[dreg:$0x4] =	wrdreg s11  }
0x13: {  	s20 =	sadd.s32 s5, s19;
	s9 =	sadd.s32 s7, s19;
	[dreg:$0xe] =	wrdreg s0  }
0x14: {  	s13 =	sadd.s32 s5, s21;
	s23 =	sadd.s32 s5, s10;
	[dreg:$0x5] =	wrdreg s20  }
0x15: {  	s24 =	sadd.s32 s7, s10;
	s18 =	simm.s32 $0xB;
	[dreg:$0x6] =	wrdreg s9  }
0x16: {  	s0 =	simm.s32 $0x4400;
	s10 =	simm.s32 $0x8;
	[dreg:$0x7] =	wrdreg s13  }
.Ltmp0:
0x17: {  	s11 =	simm.s32 $0x5;
	[dreg:$0x9] =	wrdreg s23;
	(pc) =	sbr.rel .LBB2_1-.Ltmp0, $4  }
0x18: {  	s19 =	simm.s32 $0x0;
	s9 =	sadd.s32 s7, s21;
	[dreg:$0xa] =	wrdreg s24  }
0x19: {  	s21 =	simm.s32 $0x200;
	s23 =	simm.s32 $0x280;
	s24 =	simm.s32 $0x100  }
0x1a: {  	s13 =	simm.s32 $0x9;
	[dreg:$0x8] =	wrdreg s9;
	s9 =	sadd.s32 s25, s2  }
0x1b: {  	s25 =	simm.s32 $0x300;
	[dreg:$0xb] =	wrdreg s9;
	s9 =	simm.s32 $0x7  }
.LBB2_4:
0x1c: {  	[bflag:$0x0] =	sbarrier.arrive $0xFFFF  }
0x1d: {  	s17 =	rddreg [dreg:$0xd]  }
0x1e: {  	s16 =	rddreg [dreg:$0xe]  }
0x1f: {  	s18 =	rddreg [dreg:$0x11]  }
0x20: {  	[hbm:s16], [sflag:s17] =	dma.local [spmem:s18], $0x2800  }
0x21: {  	s18 =	simm.s32 $0xB  }
0x22: {  	_ =	swait.ge [sflag:s18], $0x2800  }
0x23: {  	s19 =	rddreg [dreg:$0x10]  }
0x24: {  	s28 =	rddreg [dreg:$0xf];
	s19 =	sadd.s32 $0x1, s19  }
0x25: {  	p0 =	sne.s32 s19, s28  }
.Ltmp1:
0x26: {  	_ = 	snop;
	(pc) =	sbr.rel @!p0 .LBB2_5-.Ltmp1, $3  }
0x27: {  	_ =	sdelay $0x1  }
0x28: {  	[sflag:s18] =	ssyncset.done $0x0  }
0x29: {  	[sflag:s18] =	ssyncadd.s32 $0xFFFFD800  }
.LBB2_1:
0x2a: {  	[dreg:$0x10] =	wrdreg s19  }
0x2b: {  	s16 =	rddreg [dreg:$0x3]  }
0x2c: {  	s28 =	rddreg [dreg:$0x4]  }
0x2d: {  	[tilespmem:s3], [sflag:$0x3] =	stream.linear.gather [hbm4b:s16+s3], $0x80, $0x38;
	[tilespmem:$0x1C400] =	vst v63  }
0x2e: {  	s19 =	rddreg [dreg:$0x5]  }
0x2f: {  	[tilespmem:s21], [sflag:$0x7] =	stream.linear.gather [hbm4b:s28+s3], $0x80, $0x38;
	[tilespmem:$0x1C400] =	vst v63  }
0x30: {  	s20 =	rddreg [dreg:$0x6]  }
0x31: {  	[tilespmem:s22], [sflag:$0x4] =	stream.linear.gather [hbm4b:s19+s3], $0x80, $0x38;
	[tilespmem:$0x1C400] =	vst v63  }
0x32: {  	s28 =	rddreg [dreg:$0x7]  }
0x33: {  	[tilespmem:s23], [sflag:$0x8] =	stream.linear.gather [hbm4b:s20+s3], $0x80, $0x38;
	[tilespmem:$0x1C400] =	vst v63  }
0x34: {  	s19 =	rddreg [dreg:$0x8]  }
0x35: {  	[tilespmem:s24], [sflag:$0x5] =	stream.linear.gather [hbm4b:s28+s3], $0x80, $0x38;
	[tilespmem:$0x1C400] =	vst v63  }
0x36: {  	s20 =	rddreg [dreg:$0x9]  }
0x37: {  	[tilespmem:s25], [sflag:$0x9] =	stream.linear.gather [hbm4b:s19+s3], $0x80, $0x38;
	[tilespmem:$0x1C400] =	vst v63  }
0x38: {  	s19 =	rddreg [dreg:$0xb]  }
0x39: {  	[tilespmem:s26], [sflag:$0x6] =	stream.linear.gather [hbm4b:s20+s3], $0x80, $0x38;
	[tilespmem:$0x1C400] =	vst v63  }
0x3a: {  	s28 =	rddreg [dreg:$0xa];
	s20 =	sshrl.u32 s19, $0x3  }
0x3b: {  	[dreg:$0x11] =	wrdreg s20  }
0x3c: {  	[tilespmem:s15], [sflag:$0xA] =	stream.linear.gather [hbm4b:s28+s3], $0x80, $0x38;
	[tilespmem:$0x1C400] =	vst v63  }
0x3d: {  	s28 =	rddreg [dreg:$0xc]  }
0x3e: {  	[spmem:s20], [sflag:s17] =	dma.local [hbm:s28], $0x2800  }
0x3f: {  	_ =	swait.ge [sflag:s18], $0x2800  }
0x40: {  	[sflag:s18] =	ssyncset.done $0x0  }
0x41: {  	[sflag:s18] =	ssyncadd.s32 $0xFFFFD800  }
0x42: {  	s19 =	simm.s32 $0x380;
	[bflag:$0x0] =	sbarrier.arrive $0xFFFF  }
.LBB2_2:
0x43: {  	_ =	swait.ge [sflag:s29], $0x80  }
0x44: {  	[sflag:s29] =	ssyncset.done $0x0  }
0x45: {  	[sflag:s29] =	ssyncadd.s32 $0xFFFFFF80  }
0x46: {  	[tilespmem:s30], [sflag:$0x1] =	stream.indirect.gather [hbm4b:s4+s22], $0x80, s3, s22, $0xb8;
	[tilespmem:$0x1C400] =	vst v63  }
0x47: {  	_ =	swait.ge [sflag:s31], $0x80  }
0x48: {  	[sflag:s31] =	ssyncset.done $0x0  }
0x49: {  	p0 =	seq.s32 s19, $0x2980;
	[sflag:s31] =	ssyncadd.s32 $0xFFFFFF80  }
0x4a: {  	[tilespmem:s0], [sflag:$0x2] =	stream.indirect.gather [hbm4b:s4+s22], $0x80, s22, s22, $0xb8;
	[tilespmem:$0x1C400] =	vst v63  }
0x4b: {  	s20 =	sadd.s32 @!p0 $0xFFFFFE80, s19;
	_ =	swait.ge [sflag:s1], $0x4000  }
0x4c: {  	s18 =	sand.u32 @!p0 $0x7C00, s20;
	[sflag:s1] =	ssyncset.done $0x0  }
0x4d: {  	s20 =	sand.u32 @!p0 $0x200, s20;
	s18 =	sadd.s32 @!p0 s6, s18;
	[sflag:s1] =	ssyncadd.s32 $0xFFFFC000  }
0x4e: {  	s18 =	sor.u32 @!p0 s20, s18;
	_ =	swait.ge [sflag:s8], $0x4000  }
0x4f: {  	s18 =	sshrl.u32 @!p0 s18, $0x3;
	[sflag:s8] =	ssyncset.done $0x0  }
0x50: {  	s28 =	simm.s32 @!p0 $0x0;
	s20 =	sadd.s32 @!p0 s5, s18;
	[sflag:s8] =	ssyncadd.s32 $0xFFFFC000  }
0x51: {  	[tilespmem:s28], [sflag:$0x3] =	stream.linear.gather @!p0 [hbm4b:s20+s28], $0x80, $0x38;
	[tilespmem:$0x1C400] =	vst v63  }
0x52: {  	s20 =	sadd.s32 @!p0 $0xFFFFFF00, s19  }
0x53: {  	s17 =	sand.u32 @!p0 $0x7C00, s20  }
0x54: {  	s20 =	sand.u32 @!p0 $0x280, s20;
	s17 =	sadd.s32 @!p0 s6, s17  }
0x55: {  	s17 =	sor.u32 @!p0 s20, s17  }
0x56: {  	s17 =	sshrl.u32 @!p0 s17, $0x3  }
0x57: {  	s16 =	simm.s32 @!p0 $0x80;
	s20 =	sadd.s32 @!p0 s5, s17  }
0x58: {  	[tilespmem:s16], [sflag:$0x4] =	stream.linear.gather @!p0 [hbm4b:s20+s28], $0x80, $0x38;
	[tilespmem:$0x1C400] =	vst v63  }
0x59: {  	_ =	swait.ge [sflag:s9], $0x80  }
0x5a: {  	[sflag:s9] =	ssyncset.done $0x0  }
0x5b: {  	[sflag:s9] =	ssyncadd.s32 $0xFFFFFF80  }
0x5c: {  	[spmem:s2] =	stream.indirect.scatter.add.f32 [tilespmem:s30], [sflag:$0x1], $0x80, s21, s22, $0xb8;
	[tilespmem:$0x1C400] =	vst v63  }
0x5d: {  	_ =	swait.ge [sflag:s10], $0x80  }
0x5e: {  	[sflag:s10] =	ssyncset.done $0x0  }
0x5f: {  	[sflag:s10] =	ssyncadd.s32 $0xFFFFFF80  }
0x60: {  	[spmem:s2] =	stream.indirect.scatter.add.f32 [tilespmem:s0], [sflag:$0x2], $0x80, s23, s22, $0xb8;
	[tilespmem:$0x1C400] =	vst v63  }
0x61: {  	_ =	swait.ge [sflag:s1], $0x4000  }
0x62: {  	[sflag:s1] =	ssyncset.done $0x0  }
0x63: {  	[sflag:s1] =	ssyncadd.s32 $0xFFFFC000  }
0x64: {  	_ =	swait.ge [sflag:s8], $0x4000  }
0x65: {  	[sflag:s8] =	ssyncset.done $0x0  }
0x66: {  	s16 =	sadd.s32 @!p0 s7, s18;
	s18 =	simm.s32 @!p0 $0x200;
	[sflag:s8] =	ssyncadd.s32 $0xFFFFC000  }
0x67: {  	[tilespmem:s18], [sflag:$0x7] =	stream.linear.gather @!p0 [hbm4b:s16+s28], $0x80, $0x38;
	[tilespmem:$0x1C400] =	vst v63  }
0x68: {  	s16 =	sadd.s32 @!p0 s7, s17;
	s17 =	simm.s32 @!p0 $0x280  }
0x69: {  	[tilespmem:s17], [sflag:$0x8] =	stream.linear.gather @!p0 [hbm4b:s16+s28], $0x80, $0x38;
	[tilespmem:$0x1C400] =	vst v63  }
0x6a: {  	_ =	swait.ge [sflag:s11], $0x80  }
0x6b: {  	[sflag:s11] =	ssyncset.done $0x0  }
0x6c: {  	[sflag:s11] =	ssyncadd.s32 $0xFFFFFF80  }
0x6d: {  	[tilespmem:s30], [sflag:$0x1] =	stream.indirect.gather [hbm4b:s4+s22], $0x80, s24, s22, $0xb8;
	[tilespmem:$0x1C400] =	vst v63  }
0x6e: {  	_ =	swait.ge [sflag:s12], $0x80  }
0x6f: {  	[sflag:s12] =	ssyncset.done $0x0  }
0x70: {  	[sflag:s12] =	ssyncadd.s32 $0xFFFFFF80  }
0x71: {  	[tilespmem:s0], [sflag:$0x2] =	stream.indirect.gather [hbm4b:s4+s22], $0x80, s26, s22, $0xb8;
	[tilespmem:$0x1C400] =	vst v63  }
0x72: {  	s16 =	sadd.s32 @!p0 $0xFFFFFF80, s19;
	_ =	swait.ge [sflag:s1], $0x4000  }
0x73: {  	s17 =	sand.u32 @!p0 $0x7C00, s16;
	[sflag:s1] =	ssyncset.done $0x0  }
0x74: {  	s16 =	sand.u32 @!p0 $0x300, s16;
	s17 =	sadd.s32 @!p0 s6, s17;
	[sflag:s1] =	ssyncadd.s32 $0xFFFFC000  }
0x75: {  	s16 =	sor.u32 @!p0 s16, s17;
	_ =	swait.ge [sflag:s8], $0x4000  }
0x76: {  	s16 =	sshrl.u32 @!p0 s16, $0x3;
	[sflag:s8] =	ssyncset.done $0x0  }
0x77: {  	s17 =	simm.s32 @!p0 $0x100;
	s16 =	sadd.s32 @!p0 s5, s16;
	[sflag:s8] =	ssyncadd.s32 $0xFFFFC000  }
0x78: {  	[tilespmem:s17], [sflag:$0x5] =	stream.linear.gather @!p0 [hbm4b:s16+s28], $0x80, $0x38;
	[tilespmem:$0x1C400] =	vst v63  }
0x79: {  	s16 =	sand.u32 @!p0 $0x7C00, s19  }
0x7a: {  	s17 =	sand.u32 @!p0 $0x380, s19;
	s16 =	sadd.s32 @!p0 s6, s16  }
0x7b: {  	s16 =	sor.u32 @!p0 s17, s16  }
0x7c: {  	s16 =	sshrl.u32 @!p0 s16, $0x3  }
0x7d: {  	s17 =	simm.s32 @!p0 $0x180;
	s16 =	sadd.s32 @!p0 s5, s16  }
0x7e: {  	[tilespmem:s17], [sflag:$0x6] =	stream.linear.gather @!p0 [hbm4b:s16+s28], $0x80, $0x38;
	[tilespmem:$0x1C400] =	vst v63  }
0x7f: {  	_ =	swait.ge [sflag:s13], $0x80  }
0x80: {  	[sflag:s13] =	ssyncset.done $0x0  }
0x81: {  	[sflag:s13] =	ssyncadd.s32 $0xFFFFFF80  }
0x82: {  	[spmem:s2] =	stream.indirect.scatter.add.f32 [tilespmem:s30], [sflag:$0x1], $0x80, s25, s22, $0xb8;
	[tilespmem:$0x1C400] =	vst v63  }
0x83: {  	_ =	swait.ge [sflag:s14], $0x80  }
0x84: {  	[sflag:s14] =	ssyncset.done $0x0  }
0x85: {  	[sflag:s14] =	ssyncadd.s32 $0xFFFFFF80  }
0x86: {  	[spmem:s2] =	stream.indirect.scatter.add.f32 [tilespmem:s0], [sflag:$0x2], $0x80, s15, s22, $0xb8;
	[tilespmem:$0x1C400] =	vst v63  }
0x87: {  	_ =	swait.ge [sflag:s1], $0x4000  }
.Ltmp2:
0x88: {  	[sflag:s1] =	ssyncset.done $0x0;
	(pc) =	sbr.rel @p0 .LBB2_4-.Ltmp2, $4  }
0x89: {  	[sflag:s1] =	ssyncadd.s32 $0xFFFFC000  }
0x8a: {  	_ =	swait.ge [sflag:s8], $0x4000  }
0x8b: {  	[sflag:s8] =	ssyncset.done $0x0  }
0x8c: {  	[sflag:s8] =	ssyncadd.s32 $0xFFFFC000  }
0x8d: {  	s16 =	sadd.s32 $0xFFFFFF80, s19  }
0x8e: {  	s17 =	sand.u32 $0x7C00, s16  }
0x8f: {  	s16 =	sand.u32 $0x300, s16;
	s17 =	sadd.s32 s6, s17  }
0x90: {  	s16 =	sor.u32 s16, s17  }
0x91: {  	s16 =	sshrl.u32 s16, $0x3  }
0x92: {  	s20 =	sand.u32 $0x7C00, s19;
	s16 =	sadd.s32 s7, s16  }
0x93: {  	[tilespmem:s25], [sflag:$0x9] =	stream.linear.gather [hbm4b:s16+s3], $0x80, $0x38;
	[tilespmem:$0x1C400] =	vst v63  }
.Ltmp3:
0x94: {  	s28 =	sand.u32 $0x380, s19;
	s16 =	sadd.s32 s6, s20;
	(pc) =	sbr.rel .LBB2_2-.Ltmp3, $4  }
0x95: {  	s16 =	sor.u32 s28, s16  }
0x96: {  	s16 =	sshrl.u32 s16, $0x3  }
0x97: {  	s19 =	sadd.s32 $0x200, s19;
	s16 =	sadd.s32 s7, s16  }
0x98: {  	[tilespmem:s15], [sflag:$0xA] =	stream.linear.gather [hbm4b:s16+s3], $0x80, $0x38;
	[tilespmem:$0x1C400] =	vst v63  }
.LBB2_5:
0x99: {  	_ =	sfence.sel $0x180000  }
0x9a: {  	[bflag:$0x0] =	sbarrier.arrive $0xFFFF  }
0x9b: {  	_ =	strace $0x9000004A  }
0x9c: {  	s0 =	stileid.u32;
	[bflag:$0x2] =	sbarrier.arrive $0xFFFF  }
0x9d: {  	p0 =	sne.s32 s0, $0x0;
	s0 =	rddreg [dreg:$0x2]  }
0x9e: {  	s0 =	sadd.s32 @!p0 $0x100000, s0  }
0x9f: {  	[sflag:s0] =	ssyncadd.tile.s32 @!p0 $0x1;
	_ =	shalt  }
.Lfunc_end2:
_tile_overlayer_lowered:
.L_overlay_start_2:
0xa0: {  	(tag) =	ssettag $0x2  }
0xa1: {  	s0 =	rddreg [dreg:$0x0];
	s2 =	stileid.u32  }
0xa2: {  	s1 =	rddreg [dreg:$0x1];
	p0 =	sne.s32 s2, $0x0  }
0xa3: {  	s3 =	rddreg [dreg:$0x2];
	[bflag:$0x3] =	sbarrier.arrive $0xFFFF;
	s2 =	simm.s32 @!p0 $0x1C0B  }
0xa4: {  	[timem:s3], [sflag:s2] =	dma.local @!p0 [hbm:s0], s1  }
0xa5: {  	s0 =	simm.s32 @!p0 $0xB  }
0xa6: {  	_ =	swait.ge @!p0 [sflag:s0], s1  }
0xa7: {  	s1 =	ssub.s32 @!p0 $0x0, s1;
	[sflag:s0] =	ssyncset.done @!p0 $0x0  }
0xa8: {  	[sflag:s0] =	ssyncadd.s32 @!p0 s1  }
0xa9: {  	[bflag:$0x3] =	sbarrier.arrive $0xFFFF  }
0xaa: {  	_ =	shalt  }

// kernel: kernel.15.cloned.1.call-start
scs
__scs_entry_jumppad:
0x0: {  	(pc) =	sbr.rel $0x88, $3  }
0x1: {  	(tag) =	ssettag $0x0;
	lr =	simm.s32 $0x1  }
0x2: {  	[smem:$0x3F9B] =	sst lr;
	_ =	strace $0xD0000000  }
0x3: {  	_ = 	snop  }
0x4: {  	_ = 	snop  }
0x5: {  	_ = 	snop  }
0x6: {  	_ = 	snop  }
0x7: {  	_ = 	snop  }
__scs_overlays_trampoline_lowered:
0x8: {  	[smem:$0x3FAA] =	sst s0  }
0x9: {  	[smem:$0x3FAB] =	sst s1  }
0xa: {  	[smem:$0x3FAC] =	sst s2  }
0xb: {  	[smem:$0x3FAD] =	sst s3  }
0xc: {  	[smem:$0x3FAE] =	sst s4  }
0xd: {  	[smem:$0x3FAF] =	sst s5  }
0xe: {  	[smem:$0x3FB0] =	sst s6  }
0xf: {  	[smem:$0x3FB1] =	sst s7  }
0x10: {  	[smem:$0x3FB2] =	sst s8  }
0x11: {  	[smem:$0x3FB3] =	sst s9;
	s0 =	simm.s32 @!p0 $0x0  }
0x12: {  	s1 =	sld [smem:$0x3F99];
	s0 =	simm.s32 @p0 $0x1  }
0x13: {  	[smem:$0x3FB4] =	sst s0;
	s0 =	simm.s32 @!p1 $0x0  }
0x14: {  	s2 =	sld [smem:$0x3F98];
	s0 =	simm.s32 @p1 $0x1  }
0x15: {  	[smem:$0x3FB5] =	sst s0;
	s0 =	simm.s32 @!p2 $0x0  }
0x16: {  	s3 =	sld [smem:$0x3FDB];
	s0 =	simm.s32 @p2 $0x1  }
0x17: {  	s4 =	simm.s32 $0x1BF5;
	[smem:$0x3FB7] =	sst s0  }
0x18: {  	s0 =	sld [smem:$0x3F9A];
	_ =	swait.ge [sflag:s4], $0x0  }
0x19: {  	s7 =	sld [smem:$0x3F9B]  }
0x1a: {  	s8 =	sadd.s32 $0xFFFFE003, lr  }
0x1b: {  	s9 =	sadd.s32 $0xFFFFFEF7, lr;
	s5 =	simm.s32 $0xFFFFFFFF;
	p2 =	slt.u32 s8, $0xFFFFF086  }
0x1c: {  	p1 =	slt.u32 s9, $0xF7A;
	s5 =	simm.s32 @!p2 $0x0  }
0x1d: {  	s5 =	simm.s32 @p1 $0x1;
	p0 =	seq.s32 s7, s2  }
0x1e: {  	s7 =	smul.u32 @!p0 $0xF7A, s2;
	p2 =	seq.s32 @!p0 s5, $0x0  }
0x1f: {  	s9 =	smul.u32 $0xF7A, s1;
	s8 =	simm.s32 @!p0 $0x1BF5;
	p2 =	por !p2, p0  }
0x20: {  	[sflag:s8] =	ssyncset.s32 @!p0 $0xFFFFF086;
	s6 =	sadd.s32 @!p0 s3, s7;
	s7 =	simm.s32 @!p0 $0x108  }
0x21: {  	s3 =	sadd.s32 s3, s9;
	s6 =	sadd.s32 @!p0 $0x88, s6;
	s7 =	simm.s32 @p2 $0x1082  }
0x22: {  	[simem:s7], [sflag:s8] =	dma.local @!p0 [hbm:s6], $0xF7A  }
0x23: {  	s9 =	sor.u32 $0xD0000000, s2;
	s6 =	simm.s32 $0x108;
	_ =	swait.ge @!p0 [sflag:s8], $0x0  }
0x24: {  	s3 =	sadd.s32 $0x88, s3;
	s6 =	simm.s32 @!p1 $0x1082;
	[sflag:s4] =	ssyncset.s32 $0xFFFFF086  }
0x25: {  	[simem:s6], [sflag:s4] =	dma.local [hbm:s3], $0xF7A  }
0x26: {  	[smem:$0x3F9B] =	sst s1;
	(tag) =	ssettag s2;
	_ =	strace s9  }
0x27: {  	s1 =	sld [smem:$0x3FAB]  }
0x28: {  	s2 =	sld [smem:$0x3FAC]  }
0x29: {  	s4 =	sld [smem:$0x3FAE]  }
0x2a: {  	p0 =	seq.s32 s5, $0x0;
	s5 =	sld [smem:$0x3FAF]  }
0x2b: {  	s6 =	sld [smem:$0x3FB0]  }
0x2c: {  	s7 =	sld [smem:$0x3FB1]  }
0x2d: {  	s3 =	simm.s32 $0x108;
	s8 =	sld [smem:$0x3FB2]  }
0x2e: {  	s3 =	simm.s32 @!p0 $0x1082;
	s9 =	sld [smem:$0x3FB3]  }
0x2f: {  	lr =	sadd.s32 s0, s3;
	s0 =	sld [smem:$0x3FAA]  }
0x30: {  	s3 =	sld [smem:$0x3FAD]  }
0x31: {  	[smem:$0x3FB6] =	sst s10  }
0x32: {  	s10 =	sld [smem:$0x3FB4];
	_ =	sdelay $0x3  }
0x33: {  	p0 =	seq.s32 s10, $0x1;
	s10 =	sld [smem:$0x3FB6];
	_ =	sdelay $0x3  }
0x34: {  	[smem:$0x3FB6] =	sst s10  }
0x35: {  	s10 =	sld [smem:$0x3FB5];
	_ =	sdelay $0x3  }
0x36: {  	p1 =	seq.s32 s10, $0x1;
	s10 =	sld [smem:$0x3FB6];
	_ =	sdelay $0x3  }
0x37: {  	[smem:$0x3FB6] =	sst s10  }
0x38: {  	s10 =	sld [smem:$0x3FB7]  }
0x39: {  	_ = 	snop;
	(pc) =	sbr.ind lr, $3  }
0x3a: {  	_ = 	snop  }
0x3b: {  	_ = 	snop  }
0x3c: {  	p2 =	seq.s32 s10, $0x1;
	s10 =	sld [smem:$0x3FB6]  }
0x3d: {  	_ =	shalt  }
0x3e: {  	_ =	shalt  }
0x3f: {  	_ =	shalt  }
0x40: {  	_ =	shalt  }
0x41: {  	_ =	shalt  }
0x42: {  	_ =	shalt  }
0x43: {  	_ =	shalt  }
0x44: {  	_ =	shalt  }
0x45: {  	_ =	shalt  }
0x46: {  	_ =	shalt  }
0x47: {  	_ =	shalt  }
0x48: {  	_ =	shalt  }
0x49: {  	_ =	shalt  }
0x4a: {  	_ =	shalt  }
0x4b: {  	_ =	shalt  }
0x4c: {  	_ =	shalt  }
0x4d: {  	_ =	shalt  }
0x4e: {  	_ =	shalt  }
0x4f: {  	_ =	shalt  }
0x50: {  	_ =	shalt  }
0x51: {  	_ =	shalt  }
0x52: {  	_ =	shalt  }
0x53: {  	_ =	shalt  }
0x54: {  	_ =	shalt  }
0x55: {  	_ =	shalt  }
0x56: {  	_ =	shalt  }
0x57: {  	_ =	shalt  }
0x58: {  	_ =	shalt  }
0x59: {  	_ =	shalt  }
0x5a: {  	_ =	shalt  }
0x5b: {  	_ =	shalt  }
0x5c: {  	_ =	shalt  }
0x5d: {  	_ =	shalt  }
0x5e: {  	_ =	shalt  }
0x5f: {  	_ =	shalt  }
0x60: {  	_ =	shalt  }
0x61: {  	_ =	shalt  }
0x62: {  	_ =	shalt  }
0x63: {  	_ =	shalt  }
0x64: {  	_ =	shalt  }
0x65: {  	_ =	shalt  }
0x66: {  	_ =	shalt  }
0x67: {  	_ =	shalt  }
0x68: {  	_ =	shalt  }
0x69: {  	_ =	shalt  }
0x6a: {  	_ =	shalt  }
0x6b: {  	_ =	shalt  }
0x6c: {  	_ =	shalt  }
0x6d: {  	_ =	shalt  }
0x6e: {  	_ =	shalt  }
0x6f: {  	_ =	shalt  }
0x70: {  	_ =	shalt  }
0x71: {  	_ =	shalt  }
0x72: {  	_ =	shalt  }
0x73: {  	_ =	shalt  }
0x74: {  	_ =	shalt  }
0x75: {  	_ =	shalt  }
0x76: {  	_ =	shalt  }
0x77: {  	_ =	shalt  }
0x78: {  	_ =	shalt  }
0x79: {  	_ =	shalt  }
0x7a: {  	_ =	shalt  }
0x7b: {  	_ =	shalt  }
0x7c: {  	_ =	shalt  }
0x7d: {  	_ =	shalt  }
0x7e: {  	_ =	shalt  }
0x7f: {  	_ =	shalt  }
0x80: {  	_ =	shalt  }
0x81: {  	_ =	shalt  }
0x82: {  	_ =	shalt  }
0x83: {  	_ =	shalt  }
0x84: {  	_ =	shalt  }
0x85: {  	_ =	shalt  }
0x86: {  	_ =	shalt  }
0x87: {  	_ =	shalt  }
.Lfunc_end0:
.L_simem_size_0:
called_computation.2_lowered:
.L_overlay_start_0:
0x88: {  	s2 =	sld [smem:$0x3FD9]  }
0x89: {  	s3 =	sld [smem:$0x3FFE];
	_ =	sdelay $0x1  }
0x8a: {  	s1 =	srdreg.scid  }
0x8b: {  	s0 =	sand.u32 $0x1, s1  }
0x8c: {  	s16 =	sshll.u32 s0, $0xA;
	s2 =	sadd.s32 s3, s2  }
0x8d: {  	s2 =	sadd.s32 s2, s16  }
0x8e: {  	[smem:$0x3FC2] =	sst s2  }
0x8f: {  	_ = 	snop  }
0x90: {  	(tm) =	ssettm $0x1  }
0x91: {  	s17 =	sld [smem:$0x3FFB];
	_ =	sdelay $0x3  }
0x92: {  	_ =	strace s17  }
0x93: {  	s2 =	sld [smem:$0x3FFC];
	_ =	sdelay $0x3  }
0x94: {  	_ =	strace s2  }
0x95: {  	s2 =	sld [smem:$0x3FFD];
	_ =	sdelay $0x3  }
0x96: {  	_ =	strace s2  }
0x97: {  	_ =	strace $0x8FFFFFFF  }
0x98: {  	s18 =	sld [smem:$0x3FDB];
	_ =	sdelay $0x1  }
0x99: {  	s19 =	simm.s32 $_scs_section_size  }
0x9a: {  	s4 =	simm.s32 $_size__tile_overlayer_lowered;
	s5 =	simm.s32 $_tile_overlayer_lowered  }
0x9b: {  	s22 =	simm.s32 $0x1BFF;
	s21 =	sshll.u32 s5, $0x1;
	s2 =	sadd.s32 s19, s18  }
0x9c: {  	s6 =	simm.s32 $0x0;
	s20 =	sshll.u32 s4, $0x1;
	s4 =	sadd.s32 s21, s2  }
0x9d: {  	[timem:s6], [sflag:s22] =	dma.local [hbm:s4], s20  }
0x9e: {  	_ =	swait.ge [sflag:s22], s20  }
0x9f: {  	s3 =	ssub.s32 $0x0, s20;
	[sflag:s22] =	ssyncset.done $0x0  }
0xa0: {  	[sflag:s22] =	ssyncadd.s32 s3;
	_ =	sdelay $0x1  }
0xa1: {  	s23 =	simm.s32 $0x1B8B  }
0xa2: {  	_ =	swait.ge [sflag:s23], $0x1  }
0xa3: {  	[sflag:s23] =	ssyncset.done $0x0  }
0xa4: {  	s25 =	simm.s32 $0x1B8E;
	s24 =	sld [smem:$0x3FFE];
	[sflag:s23] =	ssyncadd.s32 $0xFFFFFFFF  }
0xa5: {  	s26 =	simm.s32 $execute0_lowered;
	[smem:$0x3FD2] =	sst s25  }
0xa6: {  	s4 =	sshll.u32 s26, $0x1;
	_ =	strace $0x8000004C;
	[dreg:$0x1] =	wrdreg $0xFFFFFFFF  }
0xa7: {  	s28 =	simm.s32 $_size_execute0_lowered;
	s2 =	sadd.s32 s2, s4;
	[dreg:$0x0] =	wrdreg $0x0  }
0xa8: {  	s4 =	sshll.u32 s28, $0x1;
	[dreg:$0x2] =	wrdreg s2  }
0xa9: {  	[dreg:$0x3] =	wrdreg s4  }
0xaa: {  	[dreg:$0x4] =	wrdreg $0xC0  }
0xab: {  	_ =	task [dreg:s6], $0x5FFFF  }
0xac: {  	[dreg:$0x1] =	wrdreg $0xFFFFFFFF  }
0xad: {  	[dreg:$0x0] =	wrdreg $0x60  }
0xae: {  	[dreg:$0x2] =	wrdreg s24  }
0xaf: {  	[dreg:$0x3] =	wrdreg $0x9  }
0xb0: {  	_ =	task.clear_ibuf [dreg:s6], $0x4FFFF;
	_ =	strace $0x9000004C  }
0xb1: {  	s29 =	simm.s32 $0x9;
	_ =	strace $0x8000004E  }
0xb2: {  	_ =	swait.ge [sflag:s29], $0x1  }
0xb3: {  	[sflag:s29] =	ssyncadd.s32 $0xFFFFFFFF  }
0xb4: {  	_ =	strace $0x9000004E  }
0xb5: {  	_ =	sfence  }
0xb6: {  	s30 =	sld [smem:$0x0];
	_ =	sdelay $0x2  }
0xb7: {  	s31 =	sshll.u32 s1, $0xD;
	s1 =	sshrl.u32 s1, $0x2  }
0xb8: {  	s3 =	sand.u32 $0x4000, s31;
	s1 =	sadd.s32 s1, s30  }
0xb9: {  	s0 =	sor.u32 s3, s0;
	s1 =	sshll.u32 s1, $0x11  }
0xba: {  	s0 =	sor.u32 s1, s0  }
0xbb: {  	s0 =	sadd.s32 $0x8F2B, s0  }
0xbc: {  	[sflag:s0] =	ssyncadd.remote.s32 $0x1  }
0xbd: {  	_ =	sfence.sel $0xFFFF  }
0xbe: {  	[dreg:$0x0] =	wrdreg $0xFFFFFFFF;
	(pc) =	sbr.abs _section_cstart, $3  }
0xbf: {  	[dreg:$0x1] =	wrdreg $0xFFFFFFFF  }
0xc0: {  	_ =	task.clear_ibuf [dreg:s6], $0x2FFFF;
	_ =	strace $0x9FFFFFFF  }
0xc1: {  	(tm) =	ssettm $0x7FFFFFFF  }
tec
execute0_lowered:
.L_overlay_start_1:
0x0: {  	(tag) =	ssettag $0x1  }
0x1: {  	s1 =	srdreg.scid  }
0x2: {  	s0 =	stileid.u32;
	s4 =	rddreg [dreg:$0x0];
	s9 =	simm.s32 $0x2800  }
0x3: {  	s10 =	simm.s32 $0x5000;
	s11 =	simm.s32 $0x7800;
	s12 =	simm.s32 $0x80  }
0x4: {  	s13 =	simm.s32 $0x400;
	s14 =	simm.s32 $0x0;
	s5 =	sand.u32 $0x1, s1  }
0x5: {  	s2 =	sshll.u32 s0, $0x1;
	s1 =	rddreg [dreg:$0x1];
	s6 =	sshrl.u32 s0, $0x2  }
0x6: {  	s3 =	sor.u32 s5, s2;
	s2 =	simm.s32 $0x0;
	s6 =	smul.u32 $0x14000, s6  }
0x7: {  	s5 =	ssub.s32 $0x2, s5;
	s7 =	sshll.u32 s3, $0x7;
	[smem:$0x7FF] =	sst s2  }
0x8: {  	s8 =	smul.u32 $0x500, s3;
	s3 =	sadd.s32 $0x15E00, s4;
	s7 =	sand.u32 $0x380, s7  }
0x9: {  	s30 =	sshrl.u32 s5, $0x1;
	_ =	strace $0x8000004D;
	s6 =	sor.u32 s6, s7  }
0xa: {  	s31 =	ssub.s32 s5, s30;
	s29 =	sadd.s32 s8, s4;
	s6 =	sshrl.u32 s6, $0x3  }
0xb: {  	s7 =	smax.u32 s31, $0x1;
	s8 =	simm.s32 $0x1;
	s6 =	sadd.s32 s6, s4  }
0xc: {  	v0 =	vimm.f32 $0.0e+00;
	s5 =	sadd.s32 $0xBE00, s29;
	s4 =	sadd.s32 $0x1E00, s29;
	s6 =	sadd.s32 $0x16400, s6  }
.LBB2_1:
0xd: {  	[tilespmem:s2], [sflag:$0x1] =	stream.linear.gather [hbm4b:s4+s2], $0x2800, $0x38;
	[tilespmem:$0xA000] =	vst v63  }
0xe: {  	_ =	swait.ge [sflag:s8], $0x2800  }
0xf: {  	[sflag:s8] =	ssyncset.done $0x0  }
0x10: {  	[sflag:s8] =	ssyncadd.s32 $0xFFFFD800  }
0x11: {  	[tilespmem:s9], [sflag:$0x1] =	stream.linear.gather [hbm4b:s5+s2], $0x2800, $0x38;
	[tilespmem:$0xA000] =	vst v63  }
0x12: {  	_ =	swait.ge [sflag:s8], $0x2800  }
0x13: {  	[sflag:s8] =	ssyncset.done $0x0  }
0x14: {  	[sflag:s8] =	ssyncadd.s32 $0xFFFFD800  }
0x15: {  	[tilespmem:s10], [sflag:$0x1] =	stream.linear.gather [hbm4b:s3+s2], $0x2800, $0x38;
	[tilespmem:$0xA000] =	vst v63  }
0x16: {  	_ =	swait.ge [sflag:s8], $0x2800  }
0x17: {  	[sflag:s8] =	ssyncset.done $0x0  }
0x18: {  	s15 =	simm.s32 $0x0;
	[sflag:s8] =	ssyncadd.s32 $0xFFFFD800  }
.LBB2_2:
0x19: {  	p0 =	sne.s32 s15, $0x9FC0  }
.Ltmp0:
0x1a: {  	_ = 	snop;
	(pc) =	sbr.rel @p0 .LBB2_2-.Ltmp0, $3  }
0x1b: {  	_ =	sdelay $0x1  }
0x1c: {  	s16 =	sshra.s32 s15, $0x2  }
0x1d: {  	s15 =	sadd.s32 $0x40, s15;
	[tilespmem:s16+$0x7800] =	vst v0  }
0x1e: {  	s15 =	simm.s32 $0x0  }
.LBB2_4:
0x1f: {  	s16 =	sshra.s32 s15, $0x2  }
0x20: {  	v1 =	vld [tilespmem:s16+$0x0];
	_ =	sdelay $0x4  }
0x21: {  	v2 =	vld [tilespmem:s16+$0x2800];
	_ =	sdelay $0x2  }
0x22: {  	v1 =	vld.idx.msk [tilespmem:v1+s10+$0x0], $0xffff;
	_ =	sdelay $0x4  }
0x23: {  	[tilespmem:v2+s11+$0x0] =	vst.idx.add.f32.msk $0xffff, v1  }
0x24: {  	v1 =	vld [tilespmem:s16+$0x10];
	_ =	sdelay $0x4  }
0x25: {  	v2 =	vld [tilespmem:s16+$0x2810];
	_ =	sdelay $0x2  }
0x26: {  	v1 =	vld.idx.msk [tilespmem:v1+s10+$0x0], $0xffff;
	_ =	sdelay $0x4  }
0x27: {  	[tilespmem:v2+s11+$0x0] =	vst.idx.add.f32.msk $0xffff, v1  }
0x28: {  	v1 =	vld [tilespmem:s16+$0x20];
	_ =	sdelay $0x4  }
0x29: {  	v2 =	vld [tilespmem:s16+$0x2820];
	_ =	sdelay $0x2  }
0x2a: {  	v1 =	vld.idx.msk [tilespmem:v1+s10+$0x0], $0xffff;
	_ =	sdelay $0x4  }
0x2b: {  	[tilespmem:v2+s11+$0x0] =	vst.idx.add.f32.msk $0xffff, v1  }
0x2c: {  	v1 =	vld [tilespmem:s16+$0x30];
	_ =	sdelay $0x4  }
0x2d: {  	v2 =	vld [tilespmem:s16+$0x2830];
	_ =	sdelay $0x2  }
0x2e: {  	v1 =	vld.idx.msk [tilespmem:v1+s10+$0x0], $0xffff;
	_ =	sdelay $0x4  }
0x2f: {  	[tilespmem:v2+s11+$0x0] =	vst.idx.add.f32.msk $0xffff, v1  }
0x30: {  	v1 =	vld [tilespmem:s16+$0x40];
	_ =	sdelay $0x4  }
0x31: {  	v2 =	vld [tilespmem:s16+$0x2840];
	_ =	sdelay $0x2  }
0x32: {  	v1 =	vld.idx.msk [tilespmem:v1+s10+$0x0], $0xffff;
	_ =	sdelay $0x4  }
0x33: {  	[tilespmem:v2+s11+$0x0] =	vst.idx.add.f32.msk $0xffff, v1  }
0x34: {  	v1 =	vld [tilespmem:s16+$0x50];
	_ =	sdelay $0x4  }
0x35: {  	v2 =	vld [tilespmem:s16+$0x2850];
	_ =	sdelay $0x2  }
0x36: {  	v1 =	vld.idx.msk [tilespmem:v1+s10+$0x0], $0xffff;
	_ =	sdelay $0x4  }
0x37: {  	[tilespmem:v2+s11+$0x0] =	vst.idx.add.f32.msk $0xffff, v1  }
0x38: {  	v1 =	vld [tilespmem:s16+$0x60];
	_ =	sdelay $0x4  }
0x39: {  	v2 =	vld [tilespmem:s16+$0x2860];
	_ =	sdelay $0x2  }
0x3a: {  	v1 =	vld.idx.msk [tilespmem:v1+s10+$0x0], $0xffff;
	_ =	sdelay $0x4  }
0x3b: {  	[tilespmem:v2+s11+$0x0] =	vst.idx.add.f32.msk $0xffff, v1  }
0x3c: {  	v1 =	vld [tilespmem:s16+$0x70];
	_ =	sdelay $0x4  }
0x3d: {  	v2 =	vld [tilespmem:s16+$0x2870];
	_ =	sdelay $0x2  }
0x3e: {  	p0 =	sne.s32 s15, $0x9E00;
	v1 =	vld.idx.msk [tilespmem:v1+s10+$0x0], $0xffff  }
.Ltmp1:
0x3f: {  	_ = 	snop;
	(pc) =	sbr.rel @p0 .LBB2_4-.Ltmp1, $2  }
0x40: {  	_ =	sdelay $0x2  }
0x41: {  	s15 =	sadd.s32 $0x200, s15;
	[tilespmem:v2+s11+$0x0] =	vst.idx.add.f32.msk $0xffff, v1  }
0x42: {  	s14 =	sadd.s32 $0x1, s14  }
0x43: {  	p0 =	sne.s32 s14, s7  }
.Ltmp2:
0x44: {  	_ = 	snop;
	(pc) =	sbr.rel @p0 .LBB2_1-.Ltmp2, $4  }
0x45: {  	[hbm4b:s6+s12] =	stream.strided.scatter [tilespmem:s11], [sflag:$0x1], $0x2800, s13, s12, $0x38;
	[tilespmem:$0xA000] =	vst v63  }
0x46: {  	_ =	swait.ge [sflag:s8], $0x2800  }
0x47: {  	[sflag:s8] =	ssyncset.done $0x0  }
0x48: {  	[sflag:s8] =	ssyncadd.s32 $0xFFFFD800  }
0x49: {  	_ =	sfence.sel $0x180000  }
0x4a: {  	[bflag:$0x0] =	sbarrier.arrive $0xFFFF  }
0x4b: {  	p0 =	sne.s32 s0, $0x0;
	_ =	strace $0x9000004D  }
0x4c: {  	s0 =	sadd.s32 @!p0 $0x100000, s1;
	[bflag:$0x2] =	sbarrier.arrive $0xFFFF  }
0x4d: {  	[sflag:s0] =	ssyncadd.tile.s32 @!p0 $0x1;
	_ =	shalt  }
.Lfunc_end2:
_tile_overlayer_lowered:
.L_overlay_start_2:
0x4e: {  	(tag) =	ssettag $0x2  }
0x4f: {  	s0 =	rddreg [dreg:$0x0];
	s2 =	stileid.u32  }
0x50: {  	s1 =	rddreg [dreg:$0x1];
	p0 =	sne.s32 s2, $0x0  }
0x51: {  	s3 =	rddreg [dreg:$0x2];
	[bflag:$0x3] =	sbarrier.arrive $0xFFFF;
	s2 =	simm.s32 @!p0 $0x1C01  }
0x52: {  	[timem:s3], [sflag:s2] =	dma.local @!p0 [hbm:s0], s1  }
0x53: {  	s0 =	simm.s32 @!p0 $0x1  }
0x54: {  	_ =	swait.ge @!p0 [sflag:s0], s1  }
0x55: {  	s1 =	ssub.s32 @!p0 $0x0, s1;
	[sflag:s0] =	ssyncset.done @!p0 $0x0  }
0x56: {  	[sflag:s0] =	ssyncadd.s32 @!p0 s1  }
0x57: {  	[bflag:$0x3] =	sbarrier.arrive $0xFFFF  }
0x58: {  	_ =	shalt  }

// kernel: kernel.9.cloned.1.call-start
scs
__scs_entry_jumppad:
0x0: {  	(pc) =	sbr.rel $0x88, $3  }
0x1: {  	(tag) =	ssettag $0x0;
	lr =	simm.s32 $0x1  }
0x2: {  	[smem:$0x3F9B] =	sst lr;
	_ =	strace $0xD0000000  }
0x3: {  	_ = 	snop  }
0x4: {  	_ = 	snop  }
0x5: {  	_ = 	snop  }
0x6: {  	_ = 	snop  }
0x7: {  	_ = 	snop  }
__scs_overlays_trampoline_lowered:
0x8: {  	[smem:$0x3FAA] =	sst s0  }
0x9: {  	[smem:$0x3FAB] =	sst s1  }
0xa: {  	[smem:$0x3FAC] =	sst s2  }
0xb: {  	[smem:$0x3FAD] =	sst s3  }
0xc: {  	[smem:$0x3FAE] =	sst s4  }
0xd: {  	[smem:$0x3FAF] =	sst s5  }
0xe: {  	[smem:$0x3FB0] =	sst s6  }
0xf: {  	[smem:$0x3FB1] =	sst s7  }
0x10: {  	[smem:$0x3FB2] =	sst s8  }
0x11: {  	[smem:$0x3FB3] =	sst s9;
	s0 =	simm.s32 @!p0 $0x0  }
0x12: {  	s1 =	sld [smem:$0x3F99];
	s0 =	simm.s32 @p0 $0x1  }
0x13: {  	[smem:$0x3FB4] =	sst s0;
	s0 =	simm.s32 @!p1 $0x0  }
0x14: {  	s2 =	sld [smem:$0x3F98];
	s0 =	simm.s32 @p1 $0x1  }
0x15: {  	[smem:$0x3FB5] =	sst s0;
	s0 =	simm.s32 @!p2 $0x0  }
0x16: {  	s3 =	sld [smem:$0x3FDB];
	s0 =	simm.s32 @p2 $0x1  }
0x17: {  	s4 =	simm.s32 $0x1BF5;
	[smem:$0x3FB7] =	sst s0  }
0x18: {  	s0 =	sld [smem:$0x3F9A];
	_ =	swait.ge [sflag:s4], $0x0  }
0x19: {  	s7 =	sld [smem:$0x3F9B]  }
0x1a: {  	s8 =	sadd.s32 $0xFFFFE003, lr  }
0x1b: {  	s9 =	sadd.s32 $0xFFFFFEF7, lr;
	s5 =	simm.s32 $0xFFFFFFFF;
	p2 =	slt.u32 s8, $0xFFFFF086  }
0x1c: {  	p1 =	slt.u32 s9, $0xF7A;
	s5 =	simm.s32 @!p2 $0x0  }
0x1d: {  	s5 =	simm.s32 @p1 $0x1;
	p0 =	seq.s32 s7, s2  }
0x1e: {  	s7 =	smul.u32 @!p0 $0xF7A, s2;
	p2 =	seq.s32 @!p0 s5, $0x0  }
0x1f: {  	s9 =	smul.u32 $0xF7A, s1;
	s8 =	simm.s32 @!p0 $0x1BF5;
	p2 =	por !p2, p0  }
0x20: {  	[sflag:s8] =	ssyncset.s32 @!p0 $0xFFFFF086;
	s6 =	sadd.s32 @!p0 s3, s7;
	s7 =	simm.s32 @!p0 $0x108  }
0x21: {  	s3 =	sadd.s32 s3, s9;
	s6 =	sadd.s32 @!p0 $0x88, s6;
	s7 =	simm.s32 @p2 $0x1082  }
0x22: {  	[simem:s7], [sflag:s8] =	dma.local @!p0 [hbm:s6], $0xF7A  }
0x23: {  	s9 =	sor.u32 $0xD0000000, s2;
	s6 =	simm.s32 $0x108;
	_ =	swait.ge @!p0 [sflag:s8], $0x0  }
0x24: {  	s3 =	sadd.s32 $0x88, s3;
	s6 =	simm.s32 @!p1 $0x1082;
	[sflag:s4] =	ssyncset.s32 $0xFFFFF086  }
0x25: {  	[simem:s6], [sflag:s4] =	dma.local [hbm:s3], $0xF7A  }
0x26: {  	[smem:$0x3F9B] =	sst s1;
	(tag) =	ssettag s2;
	_ =	strace s9  }
0x27: {  	s1 =	sld [smem:$0x3FAB]  }
0x28: {  	s2 =	sld [smem:$0x3FAC]  }
0x29: {  	s4 =	sld [smem:$0x3FAE]  }
0x2a: {  	p0 =	seq.s32 s5, $0x0;
	s5 =	sld [smem:$0x3FAF]  }
0x2b: {  	s6 =	sld [smem:$0x3FB0]  }
0x2c: {  	s7 =	sld [smem:$0x3FB1]  }
0x2d: {  	s3 =	simm.s32 $0x108;
	s8 =	sld [smem:$0x3FB2]  }
0x2e: {  	s3 =	simm.s32 @!p0 $0x1082;
	s9 =	sld [smem:$0x3FB3]  }
0x2f: {  	lr =	sadd.s32 s0, s3;
	s0 =	sld [smem:$0x3FAA]  }
0x30: {  	s3 =	sld [smem:$0x3FAD]  }
0x31: {  	[smem:$0x3FB6] =	sst s10  }
0x32: {  	s10 =	sld [smem:$0x3FB4];
	_ =	sdelay $0x3  }
0x33: {  	p0 =	seq.s32 s10, $0x1;
	s10 =	sld [smem:$0x3FB6];
	_ =	sdelay $0x3  }
0x34: {  	[smem:$0x3FB6] =	sst s10  }
0x35: {  	s10 =	sld [smem:$0x3FB5];
	_ =	sdelay $0x3  }
0x36: {  	p1 =	seq.s32 s10, $0x1;
	s10 =	sld [smem:$0x3FB6];
	_ =	sdelay $0x3  }
0x37: {  	[smem:$0x3FB6] =	sst s10  }
0x38: {  	s10 =	sld [smem:$0x3FB7]  }
0x39: {  	_ = 	snop;
	(pc) =	sbr.ind lr, $3  }
0x3a: {  	_ = 	snop  }
0x3b: {  	_ = 	snop  }
0x3c: {  	p2 =	seq.s32 s10, $0x1;
	s10 =	sld [smem:$0x3FB6]  }
0x3d: {  	_ =	shalt  }
0x3e: {  	_ =	shalt  }
0x3f: {  	_ =	shalt  }
0x40: {  	_ =	shalt  }
0x41: {  	_ =	shalt  }
0x42: {  	_ =	shalt  }
0x43: {  	_ =	shalt  }
0x44: {  	_ =	shalt  }
0x45: {  	_ =	shalt  }
0x46: {  	_ =	shalt  }
0x47: {  	_ =	shalt  }
0x48: {  	_ =	shalt  }
0x49: {  	_ =	shalt  }
0x4a: {  	_ =	shalt  }
0x4b: {  	_ =	shalt  }
0x4c: {  	_ =	shalt  }
0x4d: {  	_ =	shalt  }
0x4e: {  	_ =	shalt  }
0x4f: {  	_ =	shalt  }
0x50: {  	_ =	shalt  }
0x51: {  	_ =	shalt  }
0x52: {  	_ =	shalt  }
0x53: {  	_ =	shalt  }
0x54: {  	_ =	shalt  }
0x55: {  	_ =	shalt  }
0x56: {  	_ =	shalt  }
0x57: {  	_ =	shalt  }
0x58: {  	_ =	shalt  }
0x59: {  	_ =	shalt  }
0x5a: {  	_ =	shalt  }
0x5b: {  	_ =	shalt  }
0x5c: {  	_ =	shalt  }
0x5d: {  	_ =	shalt  }
0x5e: {  	_ =	shalt  }
0x5f: {  	_ =	shalt  }
0x60: {  	_ =	shalt  }
0x61: {  	_ =	shalt  }
0x62: {  	_ =	shalt  }
0x63: {  	_ =	shalt  }
0x64: {  	_ =	shalt  }
0x65: {  	_ =	shalt  }
0x66: {  	_ =	shalt  }
0x67: {  	_ =	shalt  }
0x68: {  	_ =	shalt  }
0x69: {  	_ =	shalt  }
0x6a: {  	_ =	shalt  }
0x6b: {  	_ =	shalt  }
0x6c: {  	_ =	shalt  }
0x6d: {  	_ =	shalt  }
0x6e: {  	_ =	shalt  }
0x6f: {  	_ =	shalt  }
0x70: {  	_ =	shalt  }
0x71: {  	_ =	shalt  }
0x72: {  	_ =	shalt  }
0x73: {  	_ =	shalt  }
0x74: {  	_ =	shalt  }
0x75: {  	_ =	shalt  }
0x76: {  	_ =	shalt  }
0x77: {  	_ =	shalt  }
0x78: {  	_ =	shalt  }
0x79: {  	_ =	shalt  }
0x7a: {  	_ =	shalt  }
0x7b: {  	_ =	shalt  }
0x7c: {  	_ =	shalt  }
0x7d: {  	_ =	shalt  }
0x7e: {  	_ =	shalt  }
0x7f: {  	_ =	shalt  }
0x80: {  	_ =	shalt  }
0x81: {  	_ =	shalt  }
0x82: {  	_ =	shalt  }
0x83: {  	_ =	shalt  }
0x84: {  	_ =	shalt  }
0x85: {  	_ =	shalt  }
0x86: {  	_ =	shalt  }
0x87: {  	_ =	shalt  }
.Lfunc_end0:
.L_simem_size_0:
called_computation_lowered:
.L_overlay_start_0:
0x88: {  	s2 =	sld [smem:$0x3FD9]  }
0x89: {  	s3 =	sld [smem:$0x3FFE];
	_ =	sdelay $0x1  }
0x8a: {  	s1 =	srdreg.scid  }
0x8b: {  	s0 =	sand.u32 $0x1, s1  }
0x8c: {  	s16 =	sshll.u32 s0, $0xA;
	s2 =	sadd.s32 s3, s2  }
0x8d: {  	s2 =	sadd.s32 s2, s16  }
0x8e: {  	[smem:$0x3FC2] =	sst s2  }
0x8f: {  	_ = 	snop  }
0x90: {  	(tm) =	ssettm $0x1  }
0x91: {  	s17 =	sld [smem:$0x3FFB];
	_ =	sdelay $0x3  }
0x92: {  	_ =	strace s17  }
0x93: {  	s2 =	sld [smem:$0x3FFC];
	_ =	sdelay $0x3  }
0x94: {  	_ =	strace s2  }
0x95: {  	s2 =	sld [smem:$0x3FFD];
	_ =	sdelay $0x3  }
0x96: {  	_ =	strace s2  }
0x97: {  	_ =	strace $0x8FFFFFFF  }
0x98: {  	s18 =	sld [smem:$0x3FDB];
	_ =	sdelay $0x1  }
0x99: {  	s19 =	simm.s32 $_scs_section_size  }
0x9a: {  	s4 =	simm.s32 $_size__tile_overlayer_lowered;
	s5 =	simm.s32 $_tile_overlayer_lowered  }
0x9b: {  	s22 =	simm.s32 $0x1BFF;
	s21 =	sshll.u32 s5, $0x1;
	s2 =	sadd.s32 s19, s18  }
0x9c: {  	s6 =	simm.s32 $0x0;
	s20 =	sshll.u32 s4, $0x1;
	s4 =	sadd.s32 s21, s2  }
0x9d: {  	[timem:s6], [sflag:s22] =	dma.local [hbm:s4], s20  }
0x9e: {  	_ =	swait.ge [sflag:s22], s20  }
0x9f: {  	s3 =	ssub.s32 $0x0, s20;
	[sflag:s22] =	ssyncset.done $0x0  }
0xa0: {  	[sflag:s22] =	ssyncadd.s32 s3;
	_ =	sdelay $0x1  }
0xa1: {  	s23 =	simm.s32 $0x1B8B  }
0xa2: {  	_ =	swait.ge [sflag:s23], $0x1  }
0xa3: {  	[sflag:s23] =	ssyncset.done $0x0  }
0xa4: {  	s25 =	simm.s32 $0x1B8E;
	s24 =	sld [smem:$0x3FFE];
	[sflag:s23] =	ssyncadd.s32 $0xFFFFFFFF  }
0xa5: {  	s26 =	simm.s32 $execute0_lowered;
	[smem:$0x3FD2] =	sst s25  }
0xa6: {  	s4 =	sshll.u32 s26, $0x1;
	_ =	strace $0x80000046;
	[dreg:$0x1] =	wrdreg $0xFFFFFFFF  }
0xa7: {  	s28 =	simm.s32 $_size_execute0_lowered;
	s2 =	sadd.s32 s2, s4;
	[dreg:$0x0] =	wrdreg $0x0  }
0xa8: {  	s4 =	sshll.u32 s28, $0x1;
	[dreg:$0x2] =	wrdreg s2  }
0xa9: {  	[dreg:$0x3] =	wrdreg s4  }
0xaa: {  	[dreg:$0x4] =	wrdreg $0xC0  }
0xab: {  	_ =	task [dreg:s6], $0x5FFFF  }
0xac: {  	[dreg:$0x1] =	wrdreg $0xFFFFFFFF  }
0xad: {  	[dreg:$0x0] =	wrdreg $0x60  }
0xae: {  	[dreg:$0x2] =	wrdreg s24  }
0xaf: {  	[dreg:$0x3] =	wrdreg $0x9  }
0xb0: {  	_ =	task.clear_ibuf [dreg:s6], $0x4FFFF;
	_ =	strace $0x90000046  }
0xb1: {  	s29 =	simm.s32 $0x9;
	_ =	strace $0x80000048  }
0xb2: {  	_ =	swait.ge [sflag:s29], $0x1  }
0xb3: {  	[sflag:s29] =	ssyncadd.s32 $0xFFFFFFFF  }
0xb4: {  	_ =	strace $0x90000048  }
0xb5: {  	_ =	sfence  }
0xb6: {  	s30 =	sld [smem:$0x0];
	_ =	sdelay $0x2  }
0xb7: {  	s31 =	sshll.u32 s1, $0xD;
	s1 =	sshrl.u32 s1, $0x2  }
0xb8: {  	s3 =	sand.u32 $0x4000, s31;
	s1 =	sadd.s32 s1, s30  }
0xb9: {  	s0 =	sor.u32 s3, s0;
	s1 =	sshll.u32 s1, $0x11  }
0xba: {  	s0 =	sor.u32 s1, s0  }
0xbb: {  	s0 =	sadd.s32 $0x8F2B, s0  }
0xbc: {  	[sflag:s0] =	ssyncadd.remote.s32 $0x1  }
0xbd: {  	_ =	sfence.sel $0xFFFF  }
0xbe: {  	[dreg:$0x0] =	wrdreg $0xFFFFFFFF;
	(pc) =	sbr.abs _section_cstart, $3  }
0xbf: {  	[dreg:$0x1] =	wrdreg $0xFFFFFFFF  }
0xc0: {  	_ =	task.clear_ibuf [dreg:s6], $0x2FFFF;
	_ =	strace $0x9FFFFFFF  }
0xc1: {  	(tm) =	ssettm $0x7FFFFFFF  }
tec
execute0_lowered:
.L_overlay_start_1:
0x0: {  	(tag) =	ssettag $0x1  }
0x1: {  	s1 =	srdreg.scid  }
0x2: {  	s0 =	stileid.u32;
	s5 =	rddreg [dreg:$0x0]  }
0x3: {  	s2 =	simm.s32 $0x0;
	s8 =	simm.s32 $0x80;
	s9 =	simm.s32 $0x400  }
0x4: {  	s10 =	simm.s32 $0x0;
	s3 =	sand.u32 $0x1, s1;
	s29 =	sshll.u32 s0, $0x1  }
0x5: {  	s30 =	sshrl.u32 s0, $0x2;
	s1 =	rddreg [dreg:$0x1];
	s4 =	sor.u32 s3, s29  }
0x6: {  	[smem:$0x7FF] =	sst s2;
	s6 =	smul.u32 $0x14000, s30;
	s7 =	sshll.u32 s4, $0x7  }
0x7: {  	s3 =	ssub.s32 $0x2, s3;
	s4 =	smul.u32 $0x500, s4;
	s7 =	sand.u32 $0x380, s7  }
0x8: {  	_ =	strace $0x80000047;
	s31 =	sshrl.u32 s3, $0x1;
	s6 =	sor.u32 s6, s7  }
0x9: {  	s4 =	sadd.s32 s4, s5;
	s7 =	simm.s32 $0x2800;
	s6 =	sshrl.u32 s6, $0x3  }
0xa: {  	s5 =	sadd.s32 s6, s5;
	s6 =	ssub.s32 s3, s31;
	s3 =	sadd.s32 $0xBE00, s4  }
0xb: {  	v0 =	vimm.f32 $0.0e+00;
	v1 =	vimm.f32 $1.000000000e+00;
	s4 =	sadd.s32 $0x15E00, s5;
	s5 =	smax.u32 s6, $0x1;
	s6 =	simm.s32 $0x1  }
.LBB2_1:
0xc: {  	[tilespmem:s2], [sflag:$0x1] =	stream.linear.gather [hbm4b:s3+s2], $0x2800, $0x38;
	[tilespmem:$0x5000] =	vst v63  }
0xd: {  	_ =	swait.ge [sflag:s6], $0x2800  }
0xe: {  	[sflag:s6] =	ssyncset.done $0x0  }
0xf: {  	s11 =	simm.s32 $0x0;
	[sflag:s6] =	ssyncadd.s32 $0xFFFFD800  }
.LBB2_2:
0x10: {  	p0 =	sne.s32 s11, $0x9FC0  }
.Ltmp0:
0x11: {  	_ = 	snop;
	(pc) =	sbr.rel @p0 .LBB2_2-.Ltmp0, $3  }
0x12: {  	_ =	sdelay $0x1  }
0x13: {  	s12 =	sshra.s32 s11, $0x2  }
0x14: {  	s11 =	sadd.s32 $0x40, s11;
	[tilespmem:s12+$0x2800] =	vst v0  }
0x15: {  	s11 =	simm.s32 $0x0  }
.LBB2_4:
0x16: {  	s12 =	sshra.s32 s11, $0x2  }
0x17: {  	v2 =	vld [tilespmem:s12+$0x0];
	_ =	sdelay $0x7  }
0x18: {  	[tilespmem:v2+s7+$0x0] =	vst.idx.add.f32.msk $0xffff, v1  }
0x19: {  	v2 =	vld [tilespmem:s12+$0x10];
	_ =	sdelay $0x7  }
0x1a: {  	[tilespmem:v2+s7+$0x0] =	vst.idx.add.f32.msk $0xffff, v1  }
0x1b: {  	v2 =	vld [tilespmem:s12+$0x20];
	_ =	sdelay $0x7  }
0x1c: {  	[tilespmem:v2+s7+$0x0] =	vst.idx.add.f32.msk $0xffff, v1  }
0x1d: {  	v2 =	vld [tilespmem:s12+$0x30];
	_ =	sdelay $0x7  }
0x1e: {  	[tilespmem:v2+s7+$0x0] =	vst.idx.add.f32.msk $0xffff, v1  }
0x1f: {  	v2 =	vld [tilespmem:s12+$0x40];
	_ =	sdelay $0x7  }
0x20: {  	[tilespmem:v2+s7+$0x0] =	vst.idx.add.f32.msk $0xffff, v1  }
0x21: {  	v2 =	vld [tilespmem:s12+$0x50];
	_ =	sdelay $0x7  }
0x22: {  	[tilespmem:v2+s7+$0x0] =	vst.idx.add.f32.msk $0xffff, v1  }
0x23: {  	v2 =	vld [tilespmem:s12+$0x60];
	_ =	sdelay $0x7  }
0x24: {  	[tilespmem:v2+s7+$0x0] =	vst.idx.add.f32.msk $0xffff, v1  }
0x25: {  	v2 =	vld [tilespmem:s12+$0x70];
	_ =	sdelay $0x2  }
0x26: {  	p0 =	sne.s32 s11, $0x9E00  }
.Ltmp1:
0x27: {  	_ = 	snop;
	(pc) =	sbr.rel @p0 .LBB2_4-.Ltmp1, $2  }
0x28: {  	_ =	sdelay $0x2  }
0x29: {  	s11 =	sadd.s32 $0x200, s11;
	[tilespmem:v2+s7+$0x0] =	vst.idx.add.f32.msk $0xffff, v1  }
0x2a: {  	s10 =	sadd.s32 $0x1, s10  }
0x2b: {  	p0 =	sne.s32 s10, s5  }
.Ltmp2:
0x2c: {  	_ = 	snop;
	(pc) =	sbr.rel @p0 .LBB2_1-.Ltmp2, $4  }
0x2d: {  	[hbm4b:s4+s8] =	stream.strided.scatter [tilespmem:s7], [sflag:$0x1], $0x2800, s9, s8, $0x38;
	[tilespmem:$0x5000] =	vst v63  }
0x2e: {  	_ =	swait.ge [sflag:s6], $0x2800  }
0x2f: {  	[sflag:s6] =	ssyncset.done $0x0  }
0x30: {  	[sflag:s6] =	ssyncadd.s32 $0xFFFFD800  }
0x31: {  	_ =	sfence.sel $0x180000  }
0x32: {  	[bflag:$0x0] =	sbarrier.arrive $0xFFFF  }
0x33: {  	p0 =	sne.s32 s0, $0x0;
	_ =	strace $0x90000047  }
0x34: {  	s0 =	sadd.s32 @!p0 $0x100000, s1;
	[bflag:$0x2] =	sbarrier.arrive $0xFFFF  }
0x35: {  	[sflag:s0] =	ssyncadd.tile.s32 @!p0 $0x1;
	_ =	shalt  }
.Lfunc_end2:
_tile_overlayer_lowered:
.L_overlay_start_2:
0x36: {  	(tag) =	ssettag $0x2  }
0x37: {  	s0 =	rddreg [dreg:$0x0];
	s2 =	stileid.u32  }
0x38: {  	s1 =	rddreg [dreg:$0x1];
	p0 =	sne.s32 s2, $0x0  }
0x39: {  	s3 =	rddreg [dreg:$0x2];
	[bflag:$0x3] =	sbarrier.arrive $0xFFFF;
	s2 =	simm.s32 @!p0 $0x1C01  }
0x3a: {  	[timem:s3], [sflag:s2] =	dma.local @!p0 [hbm:s0], s1  }
0x3b: {  	s0 =	simm.s32 @!p0 $0x1  }
0x3c: {  	_ =	swait.ge @!p0 [sflag:s0], s1  }
0x3d: {  	s1 =	ssub.s32 @!p0 $0x0, s1;
	[sflag:s0] =	ssyncset.done @!p0 $0x0  }
0x3e: {  	[sflag:s0] =	ssyncadd.s32 @!p0 s1  }
0x3f: {  	[bflag:$0x3] =	sbarrier.arrive $0xFFFF  }
0x40: {  	_ =	shalt  }

</sc_bundles>
